<compile_context>
chip_gen: v7x
topology: tpu7x:2x2x1
jax: 0.10.2.dev20260603
libtpu: 0.0.44.dev20260713+nightly
codegen_flags: <defaults>
</compile_context>

<pallas_src>
import functools

import jax
import jax.numpy as jnp
from jax import lax
from jax.experimental import pallas as pl
from jax.experimental.pallas import tpu as pltpu
from jax.experimental.pallas import tpu_sc as plsc

EMBED = 64
HALF = EMBED // 2

_NC = 2
_NS = 16
_NW = _NC * _NS
_CHUNK = 640


def _table_body(ts_ref, out_ref):
    t = ts_ref[:, :]
    col = lax.broadcasted_iota(jnp.int32, out_ref.shape, 1)
    is_sin = col < HALF
    k = jnp.where(is_sin, col, col - HALF).astype(jnp.float32)
    inv_freq = jnp.exp(k * (-2.0 * jnp.log(10000.0) / EMBED))
    phase = t * inv_freq
    out_ref[:, :] = jnp.where(is_sin, jnp.sin(phase), jnp.cos(phase))


def _build_table(time_step):
    g = time_step.shape[0]
    return pl.pallas_call(
        _table_body,
        out_shape=jax.ShapeDtypeStruct((g, EMBED), jnp.float32),
    )(time_step.reshape(g, 1))


_SCCH = 2 * _CHUNK


def _gather_body(n_chunks_total, edge_hbm, batch_hbm, table_hbm,
                 out_hbm, idx_v, g_v, rows_v, sems):
    wid = lax.axis_index("s") * _NC + lax.axis_index("c")
    n_mine = (n_chunks_total - wid + _NW - 1) // _NW

    def step(i, carry):
        k = i * _NW + wid
        base = k * _SCCH
        rowbase = k * _CHUNK
        pltpu.sync_copy(edge_hbm.at[0, pl.ds(base, _SCCH)], idx_v)
        pltpu.async_copy(batch_hbm.at[idx_v], g_v, sems[0]).wait()
        pltpu.async_copy(table_hbm.at[g_v], rows_v, sems[1]).wait()
        w1 = pltpu.async_copy(rows_v.at[pl.ds(0, _CHUNK)],
                              out_hbm.at[pl.ds(rowbase, _CHUNK),
                                         pl.ds(0, EMBED)], sems[2])
        w2 = pltpu.async_copy(rows_v.at[pl.ds(_CHUNK, _CHUNK)],
                              out_hbm.at[pl.ds(rowbase, _CHUNK),
                                         pl.ds(EMBED, EMBED)], sems[3])
        w1.wait()
        w2.wait()
        return carry

    lax.fori_loop(0, n_mine, step, 0)


def _sc_gather(edge_index, batch, table):
    e = edge_index.shape[1]
    n_chunks_total = e // _SCCH
    mesh = plsc.VectorSubcoreMesh(core_axis_name="c", subcore_axis_name="s")
    run = pl.kernel(
        functools.partial(_gather_body, n_chunks_total),
        out_type=jax.ShapeDtypeStruct((e // 2, 2 * EMBED), jnp.float32),
        mesh=mesh,
        scratch_types=[
            pltpu.VMEM((_SCCH,), jnp.int32),
            pltpu.VMEM((_SCCH,), jnp.int32),
            pltpu.VMEM((_SCCH, EMBED), jnp.float32),
            [pltpu.SemaphoreType.DMA for _ in range(4)],
        ],
        compiler_params=pltpu.CompilerParams(use_tc_tiling_on_sc=False),
    )
    return run(edge_index, batch, table)


_RUNS = 25


def _relayout_body(in_ref, out_ref):
    xt = in_ref[:, :].T
    for s in range(_RUNS):
        c = s * _CHUNK
        out_ref[:, 2 * c:2 * c + _CHUNK] = xt[:EMBED, c:c + _CHUNK]
        out_ref[:, 2 * c + _CHUNK:2 * c + 2 * _CHUNK] = xt[EMBED:, c:c + _CHUNK]


def _tc_relayout(packed, e):
    rows = packed.shape[0]
    grid = (rows // (_RUNS * _CHUNK),)
    return pl.pallas_call(
        _relayout_body,
        grid=grid,
        in_specs=[pl.BlockSpec((_RUNS * _CHUNK, 2 * EMBED),
                               lambda i: (i, 0))],
        out_specs=pl.BlockSpec((EMBED, 2 * _RUNS * _CHUNK),
                               lambda i: (0, i)),
        out_shape=jax.ShapeDtypeStruct((EMBED, e), jnp.float32),
    )(packed)


def kernel(time_step, batch, edge_index):
    table = _build_table(time_step)
    e = edge_index.shape[1]
    pad = (-e) % (2 * _RUNS * _CHUNK)
    if pad:
        edge_index = jnp.concatenate(
            [edge_index,
             jnp.zeros((2, pad), dtype=edge_index.dtype)], axis=1)
    ep = e + pad
    packed = _sc_gather(edge_index, batch, table)
    out = _tc_relayout(packed, ep).T
    if pad:
        out = out[:e]
    return out

# --- scband reference (transcript-rebuilt; emitter-appended) ---
"""Pipeline reference for scband-time-encoder-46995532153487 (READ-ONLY COPY).

The authoritative reference and input builder live on the scoring server;
editing this copy changes nothing except your own understanding.
"""

import jax, jax.numpy as jnp
import numpy as np

EMBED_SIZE = 64
N_GRAPHS = 512
N_NODES = 50000
N_EDGES = 800000


def setup_inputs(seed: int = 0) -> dict:
    key = jax.random.key(seed)
    k1, k2, k3 = jax.random.split(key, 3)
    time_step = jax.random.uniform(k1, (N_GRAPHS,), dtype=jnp.float32)
    batch = jnp.sort(jax.random.randint(k2, (N_NODES,), 0, N_GRAPHS, dtype=jnp.int32))
    edge_index = jax.random.randint(k3, (2, N_EDGES), 0, N_NODES, dtype=jnp.int32)
    return {"time_step": time_step, "batch": batch, "edge_index": edge_index}


def reference(time_step, batch, edge_index):
    embed_size = EMBED_SIZE
    inv_freq = 1.0 / (10000.0 ** (jnp.arange(0, embed_size, 2, dtype=jnp.float32) / embed_size))
    # edge_graph = batch.index_select(0, edge_index[0])
    edge_graph = jnp.take(batch, edge_index[0], axis=0)
    # edge_time_step = time_step.index_select(0, edge_graph)
    edge_time_step = jnp.take(time_step, edge_graph, axis=0)
    ts = edge_time_step[:, None]  # [E, 1]
    # time_step.repeat(1, embed_size//2) * inv_freq  ==  broadcast multiply
    pos_enc_a = jnp.sin(ts * inv_freq)
    pos_enc_b = jnp.cos(ts * inv_freq)
    pos_enc = jnp.concatenate((pos_enc_a, pos_enc_b), axis=-1)
    return pos_enc

if __name__ == "__main__":
    import jax
    _d = setup_inputs()
    print(jax.jit(kernel)(*tuple(_d.values())))

</pallas_src>

<mosaic_0001>
#map = affine_map<(d0, d1) -> (0, 0)>
#map1 = affine_map<(d0, d1) -> (0)>
module attributes {stable_mosaic.version = 14 : i64} {
  func.func @_gather_body(%arg0: i32, %arg1: i32, %arg2: memref<2x800000xi32, #tpu.memory_space<hbm>>, %arg3: memref<50000xi32, #tpu.memory_space<hbm>>, %arg4: memref<512x64xf32, #tpu.memory_space<hbm>>, %arg5: memref<400000x128xf32, #tpu.memory_space<hbm>>, %arg6: memref<1280xi32, #tpu.memory_space<vmem>>, %arg7: memref<1280xi32, #tpu.memory_space<vmem>>, %arg8: memref<1280x64xf32, #tpu.memory_space<vmem>>, %arg9: memref<!tpu.dma_semaphore, #tpu.memory_space<semaphore_mem>>, %arg10: memref<!tpu.dma_semaphore, #tpu.memory_space<semaphore_mem>>, %arg11: memref<!tpu.dma_semaphore, #tpu.memory_space<semaphore_mem>>, %arg12: memref<!tpu.dma_semaphore, #tpu.memory_space<semaphore_mem>>) attributes {dimension_semantics = [#tpu.dimension_semantics<core_parallel>, #tpu.dimension_semantics<subcore_parallel>], iteration_bounds = array<i64: 2, 16>, scalar_prefetch = 0 : i64, scratch_operands = 7 : i64, tpu.core_type = #tpu.core_type<sc_vector_subcore>, window_params = [{transform_indices = #map}, {transform_indices = #map1}, {transform_indices = #map}, {transform_indices = #map}]} {
    %mul3A = arith.constant 2 : i32
    %mul3A_0 = arith.muli %arg1, %mul3A : i32
    %add3A = arith.addi %mul3A_0, %arg0 : i32
    %sub3A = arith.constant 625 : i32
    %sub3A_1 = arith.subi %sub3A, %add3A : i32
    %add3A_2 = arith.constant 32 : i32
    %add3A_3 = arith.addi %sub3A_1, %add3A_2 : i32
    %sub3A_4 = arith.constant 1 : i32
    %sub3A_5 = arith.subi %add3A_3, %sub3A_4 : i32
    %jit3A = arith.constant 32 : i32
    %div3A = arith.divsi %sub3A_5, %jit3A : i32
    %sign3A = arith.constant 0 : i32
    %sign3A_6 = arith.cmpi sgt, %sub3A_5, %sign3A : i32
    %sign3A_7 = arith.extui %sign3A_6 : i1 to i32
    %sign3A_8 = arith.constant 0 : i32
    %sign3A_9 = arith.cmpi slt, %sub3A_5, %sign3A_8 : i32
    %sign3A_10 = arith.extui %sign3A_9 : i1 to i32
    %sign3A_11 = arith.subi %sign3A_7, %sign3A_10 : i32
    %sign3A_12 = arith.constant 0 : i32
    %sign3A_13 = arith.cmpi sgt, %jit3A, %sign3A_12 : i32
    %sign3A_14 = arith.extui %sign3A_13 : i1 to i32
    %sign3A_15 = arith.constant 0 : i32
    %sign3A_16 = arith.cmpi slt, %jit3A, %sign3A_15 : i32
    %sign3A_17 = arith.extui %sign3A_16 : i1 to i32
    %sign3A_18 = arith.subi %sign3A_14, %sign3A_17 : i32
    %ne3A = arith.cmpi ne, %sign3A_11, %sign3A_18 : i32
    %rem3A = arith.remsi %sub3A_5, %jit3A : i32
    %ne3A_19 = arith.constant 0 : i32
    %ne3A_20 = arith.cmpi ne, %rem3A, %ne3A_19 : i32
    %and3A = arith.andi %ne3A, %ne3A_20 : i1
    %sub3A_21 = arith.constant 1 : i32
    %sub3A_22 = arith.subi %div3A, %sub3A_21 : i32
    %select_n3A = arith.select %and3A, %sub3A_22, %div3A : i32
    %while3A = arith.constant 0 : i32
    %while3A_23 = arith.constant 0 : i32
    %while3A_24 = arith.subi %select_n3A, %while3A_23 : i32
    %while3A_25 = arith.addi %while3A_23, %while3A_24 : i32
    %while3A_26 = arith.constant 1 : i32
    %while3A_27 = arith.divsi %while3A_24, %while3A_26 : i32
    %while3A_28 = arith.muli %while3A_27, %while3A_26 : i32
    %while3A_29 = arith.addi %while3A_23, %while3A_28 : i32
    %while3A_30 = arith.constant 1 : i32
    scf.for %while3A_32 = %while3A_23 to %while3A_29 step %while3A_30  : i32 {
      %mul3A_33 = arith.constant 32 : i32
      %mul3A_34 = arith.muli %while3A_32, %mul3A_33 : i32
      %add3A_35 = arith.addi %mul3A_34, %add3A : i32
      %mul3A_36 = arith.constant 1280 : i32
      %mul3A_37 = arith.muli %add3A_35, %mul3A_36 : i32
      %mul3A_38 = arith.constant 640 : i32
      %mul3A_39 = arith.muli %add3A_35, %mul3A_38 : i32
      %run_scoped3A = arith.constant 0 : i32
      "tpu.region"() ({
        %run_scoped3A_88 = tpu.sem_alloc : memref<!tpu.dma_semaphore, #tpu.memory_space<semaphore_mem>>
        %dma_start3A_89 = tpu.memref_slice %arg2[%run_scoped3A, %mul3A_37] : memref<2x800000xi32, #tpu.memory_space<hbm>> -> memref<1x1280xi32, #tpu.memory_space<hbm>>
        %dma_start3A_90 = tpu.memref_squeeze %dma_start3A_89 : memref<1x1280xi32, #tpu.memory_space<hbm>> -> memref<1280xi32, #tpu.memory_space<hbm>>
        %dma_start3A_91 = tpu.memref_slice %arg2[%run_scoped3A, %mul3A_37] : memref<2x800000xi32, #tpu.memory_space<hbm>> -> memref<1x1280xi32, #tpu.memory_space<hbm>>
        %dma_start3A_92 = tpu.memref_squeeze %dma_start3A_91 : memref<1x1280xi32, #tpu.memory_space<hbm>> -> memref<1280xi32, #tpu.memory_space<hbm>>
        tpu.enqueue_dma source(%dma_start3A_92 : memref<1280xi32, #tpu.memory_space<hbm>>) target(%arg6 : memref<1280xi32, #tpu.memory_space<vmem>>) target_semaphore(%run_scoped3A_88 : memref<!tpu.dma_semaphore, #tpu.memory_space<semaphore_mem>>)
        %dma_wait3A_93 = tpu.memref_slice %arg2[%run_scoped3A, %mul3A_37] : memref<2x800000xi32, #tpu.memory_space<hbm>> -> memref<1x1280xi32, #tpu.memory_space<hbm>>
        %dma_wait3A_94 = tpu.memref_squeeze %dma_wait3A_93 : memref<1x1280xi32, #tpu.memory_space<hbm>> -> memref<1280xi32, #tpu.memory_space<hbm>>
        %dma_wait3A_95 = tpu.memref_slice %arg2[%run_scoped3A, %mul3A_37] : memref<2x800000xi32, #tpu.memory_space<hbm>> -> memref<1x1280xi32, #tpu.memory_space<hbm>>
        %dma_wait3A_96 = tpu.memref_squeeze %dma_wait3A_95 : memref<1x1280xi32, #tpu.memory_space<hbm>> -> memref<1280xi32, #tpu.memory_space<hbm>>
        tpu.wait_dma2 semaphore(%run_scoped3A_88 : memref<!tpu.dma_semaphore, #tpu.memory_space<semaphore_mem>>) src(%dma_wait3A_96 : memref<1280xi32, #tpu.memory_space<hbm>>) dst(%arg6 : memref<1280xi32, #tpu.memory_space<vmem>>)
        tpu.yield
      }) : () -> ()
      %dma_start3A = arith.constant 0 : i32
      %dma_start3A_40 = tpu.memref_slice %arg3[%dma_start3A] : memref<50000xi32, #tpu.memory_space<hbm>> -> memref<50000xi32, #tpu.memory_space<hbm>>
      tpu.enqueue_indirect_dma source(%dma_start3A_40 : memref<50000xi32, #tpu.memory_space<hbm>>) target(%arg7 : memref<1280xi32, #tpu.memory_space<vmem>>) offsets(%arg6 : memref<1280xi32, #tpu.memory_space<vmem>>) semaphore(%arg9 : memref<!tpu.dma_semaphore, #tpu.memory_space<semaphore_mem>>)
      %dma_wait3A = arith.constant 0 : i32
      %dma_wait3A_41 = tpu.memref_slice %arg3[%dma_wait3A] : memref<50000xi32, #tpu.memory_space<hbm>> -> memref<50000xi32, #tpu.memory_space<hbm>>
      tpu.wait_indirect_dma semaphore(%arg9 : memref<!tpu.dma_semaphore, #tpu.memory_space<semaphore_mem>>) src(%dma_wait3A_41 : memref<50000xi32, #tpu.memory_space<hbm>>) dst(%arg7 : memref<1280xi32, #tpu.memory_space<vmem>>)
      %dma_start3A_42 = arith.constant 0 : i32
      %dma_start3A_43 = arith.constant 0 : i32
      %dma_start3A_44 = tpu.memref_slice %arg4[%dma_start3A_42, %dma_start3A_43] : memref<512x64xf32, #tpu.memory_space<hbm>> -> memref<512x64xf32, #tpu.memory_space<hbm>>
      tpu.enqueue_indirect_dma source(%dma_start3A_44 : memref<512x64xf32, #tpu.memory_space<hbm>>) target(%arg8 : memref<1280x64xf32, #tpu.memory_space<vmem>>) offsets(%arg7 : memref<1280xi32, #tpu.memory_space<vmem>>) semaphore(%arg10 : memref<!tpu.dma_semaphore, #tpu.memory_space<semaphore_mem>>)
      %dma_wait3A_45 = arith.constant 0 : i32
      %dma_wait3A_46 = arith.constant 0 : i32
      %dma_wait3A_47 = tpu.memref_slice %arg4[%dma_wait3A_45, %dma_wait3A_46] : memref<512x64xf32, #tpu.memory_space<hbm>> -> memref<512x64xf32, #tpu.memory_space<hbm>>
      tpu.wait_indirect_dma semaphore(%arg10 : memref<!tpu.dma_semaphore, #tpu.memory_space<semaphore_mem>>) src(%dma_wait3A_47 : memref<512x64xf32, #tpu.memory_space<hbm>>) dst(%arg8 : memref<1280x64xf32, #tpu.memory_space<vmem>>)
      %dma_start3A_48 = arith.constant 0 : i32
      %dma_start3A_49 = arith.constant 0 : i32
      %dma_start3A_50 = tpu.memref_slice %arg8[%dma_start3A_48, %dma_start3A_49] : memref<1280x64xf32, #tpu.memory_space<vmem>> -> memref<640x64xf32, #tpu.memory_space<vmem>>
      %dma_start3A_51 = arith.constant 0 : i32
      %dma_start3A_52 = tpu.memref_slice %arg5[%mul3A_39, %dma_start3A_51] : memref<400000x128xf32, #tpu.memory_space<hbm>> -> memref<640x64xf32, #tpu.memory_space<hbm>>
      %dma_start3A_53 = arith.constant 0 : i32
      %dma_start3A_54 = tpu.memref_slice %arg5[%mul3A_39, %dma_start3A_53] : memref<400000x128xf32, #tpu.memory_space<hbm>> -> memref<640x64xf32, #tpu.memory_space<hbm>>
      %dma_start3A_55 = arith.constant 0 : i32
      %dma_start3A_56 = arith.constant 0 : i32
      %dma_start3A_57 = tpu.memref_slice %arg8[%dma_start3A_55, %dma_start3A_56] : memref<1280x64xf32, #tpu.memory_space<vmem>> -> memref<640x64xf32, #tpu.memory_space<vmem>>
      tpu.enqueue_dma source(%dma_start3A_57 : memref<640x64xf32, #tpu.memory_space<vmem>>) target(%dma_start3A_54 : memref<640x64xf32, #tpu.memory_space<hbm>>) target_semaphore(%arg11 : memref<!tpu.dma_semaphore, #tpu.memory_space<semaphore_mem>>)
      %dma_start3A_58 = arith.constant 640 : i32
      %dma_start3A_59 = arith.constant 0 : i32
      %dma_start3A_60 = tpu.memref_slice %arg8[%dma_start3A_58, %dma_start3A_59] : memref<1280x64xf32, #tpu.memory_space<vmem>> -> memref<640x64xf32, #tpu.memory_space<vmem>>
      %dma_start3A_61 = arith.constant 64 : i32
      %dma_start3A_62 = tpu.memref_slice %arg5[%mul3A_39, %dma_start3A_61] : memref<400000x128xf32, #tpu.memory_space<hbm>> -> memref<640x64xf32, #tpu.memory_space<hbm>>
      %dma_start3A_63 = arith.constant 64 : i32
      %dma_start3A_64 = tpu.memref_slice %arg5[%mul3A_39, %dma_start3A_63] : memref<400000x128xf32, #tpu.memory_space<hbm>> -> memref<640x64xf32, #tpu.memory_space<hbm>>
      %dma_start3A_65 = arith.constant 640 : i32
      %dma_start3A_66 = arith.constant 0 : i32
      %dma_start3A_67 = tpu.memref_slice %arg8[%dma_start3A_65, %dma_start3A_66] : memref<1280x64xf32, #tpu.memory_space<vmem>> -> memref<640x64xf32, #tpu.memory_space<vmem>>
      tpu.enqueue_dma source(%dma_start3A_67 : memref<640x64xf32, #tpu.memory_space<vmem>>) target(%dma_start3A_64 : memref<640x64xf32, #tpu.memory_space<hbm>>) target_semaphore(%arg12 : memref<!tpu.dma_semaphore, #tpu.memory_space<semaphore_mem>>)
      %dma_wait3A_68 = arith.constant 0 : i32
      %dma_wait3A_69 = arith.constant 0 : i32
      %dma_wait3A_70 = tpu.memref_slice %arg8[%dma_wait3A_68, %dma_wait3A_69] : memref<1280x64xf32, #tpu.memory_space<vmem>> -> memref<640x64xf32, #tpu.memory_space<vmem>>
      %dma_wait3A_71 = arith.constant 0 : i32
      %dma_wait3A_72 = tpu.memref_slice %arg5[%mul3A_39, %dma_wait3A_71] : memref<400000x128xf32, #tpu.memory_space<hbm>> -> memref<640x64xf32, #tpu.memory_space<hbm>>
      %dma_wait3A_73 = arith.constant 0 : i32
      %dma_wait3A_74 = tpu.memref_slice %arg5[%mul3A_39, %dma_wait3A_73] : memref<400000x128xf32, #tpu.memory_space<hbm>> -> memref<640x64xf32, #tpu.memory_space<hbm>>
      %dma_wait3A_75 = arith.constant 0 : i32
      %dma_wait3A_76 = arith.constant 0 : i32
      %dma_wait3A_77 = tpu.memref_slice %arg8[%dma_wait3A_75, %dma_wait3A_76] : memref<1280x64xf32, #tpu.memory_space<vmem>> -> memref<640x64xf32, #tpu.memory_space<vmem>>
      tpu.wait_dma2 semaphore(%arg11 : memref<!tpu.dma_semaphore, #tpu.memory_space<semaphore_mem>>) src(%dma_wait3A_77 : memref<640x64xf32, #tpu.memory_space<vmem>>) dst(%dma_wait3A_74 : memref<640x64xf32, #tpu.memory_space<hbm>>)
      %dma_wait3A_78 = arith.constant 640 : i32
      %dma_wait3A_79 = arith.constant 0 : i32
      %dma_wait3A_80 = tpu.memref_slice %arg8[%dma_wait3A_78, %dma_wait3A_79] : memref<1280x64xf32, #tpu.memory_space<vmem>> -> memref<640x64xf32, #tpu.memory_space<vmem>>
      %dma_wait3A_81 = arith.constant 64 : i32
      %dma_wait3A_82 = tpu.memref_slice %arg5[%mul3A_39, %dma_wait3A_81] : memref<400000x128xf32, #tpu.memory_space<hbm>> -> memref<640x64xf32, #tpu.memory_space<hbm>>
      %dma_wait3A_83 = arith.constant 64 : i32
      %dma_wait3A_84 = tpu.memref_slice %arg5[%mul3A_39, %dma_wait3A_83] : memref<400000x128xf32, #tpu.memory_space<hbm>> -> memref<640x64xf32, #tpu.memory_space<hbm>>
      %dma_wait3A_85 = arith.constant 640 : i32
      %dma_wait3A_86 = arith.constant 0 : i32
      %dma_wait3A_87 = tpu.memref_slice %arg8[%dma_wait3A_85, %dma_wait3A_86] : memref<1280x64xf32, #tpu.memory_space<vmem>> -> memref<640x64xf32, #tpu.memory_space<vmem>>
      tpu.wait_dma2 semaphore(%arg12 : memref<!tpu.dma_semaphore, #tpu.memory_space<semaphore_mem>>) src(%dma_wait3A_87 : memref<640x64xf32, #tpu.memory_space<vmem>>) dst(%dma_wait3A_84 : memref<640x64xf32, #tpu.memory_space<hbm>>)
    }
    %while3A_31 = arith.constant 1 : i32
    scf.for %while3A_32 = %while3A_29 to %while3A_25 step %while3A_31  : i32 {
      %mul3A_33 = arith.constant 32 : i32
      %mul3A_34 = arith.muli %while3A_32, %mul3A_33 : i32
      %add3A_35 = arith.addi %mul3A_34, %add3A : i32
      %mul3A_36 = arith.constant 1280 : i32
      %mul3A_37 = arith.muli %add3A_35, %mul3A_36 : i32
      %mul3A_38 = arith.constant 640 : i32
      %mul3A_39 = arith.muli %add3A_35, %mul3A_38 : i32
      %run_scoped3A = arith.constant 0 : i32
      "tpu.region"() ({
        %run_scoped3A_88 = tpu.sem_alloc : memref<!tpu.dma_semaphore, #tpu.memory_space<semaphore_mem>>
        %dma_start3A_89 = tpu.memref_slice %arg2[%run_scoped3A, %mul3A_37] : memref<2x800000xi32, #tpu.memory_space<hbm>> -> memref<1x1280xi32, #tpu.memory_space<hbm>>
        %dma_start3A_90 = tpu.memref_squeeze %dma_start3A_89 : memref<1x1280xi32, #tpu.memory_space<hbm>> -> memref<1280xi32, #tpu.memory_space<hbm>>
        %dma_start3A_91 = tpu.memref_slice %arg2[%run_scoped3A, %mul3A_37] : memref<2x800000xi32, #tpu.memory_space<hbm>> -> memref<1x1280xi32, #tpu.memory_space<hbm>>
        %dma_start3A_92 = tpu.memref_squeeze %dma_start3A_91 : memref<1x1280xi32, #tpu.memory_space<hbm>> -> memref<1280xi32, #tpu.memory_space<hbm>>
        tpu.enqueue_dma source(%dma_start3A_92 : memref<1280xi32, #tpu.memory_space<hbm>>) target(%arg6 : memref<1280xi32, #tpu.memory_space<vmem>>) target_semaphore(%run_scoped3A_88 : memref<!tpu.dma_semaphore, #tpu.memory_space<semaphore_mem>>)
        %dma_wait3A_93 = tpu.memref_slice %arg2[%run_scoped3A, %mul3A_37] : memref<2x800000xi32, #tpu.memory_space<hbm>> -> memref<1x1280xi32, #tpu.memory_space<hbm>>
        %dma_wait3A_94 = tpu.memref_squeeze %dma_wait3A_93 : memref<1x1280xi32, #tpu.memory_space<hbm>> -> memref<1280xi32, #tpu.memory_space<hbm>>
        %dma_wait3A_95 = tpu.memref_slice %arg2[%run_scoped3A, %mul3A_37] : memref<2x800000xi32, #tpu.memory_space<hbm>> -> memref<1x1280xi32, #tpu.memory_space<hbm>>
        %dma_wait3A_96 = tpu.memref_squeeze %dma_wait3A_95 : memref<1x1280xi32, #tpu.memory_space<hbm>> -> memref<1280xi32, #tpu.memory_space<hbm>>
        tpu.wait_dma2 semaphore(%run_scoped3A_88 : memref<!tpu.dma_semaphore, #tpu.memory_space<semaphore_mem>>) src(%dma_wait3A_96 : memref<1280xi32, #tpu.memory_space<hbm>>) dst(%arg6 : memref<1280xi32, #tpu.memory_space<vmem>>)
        tpu.yield
      }) : () -> ()
      %dma_start3A = arith.constant 0 : i32
      %dma_start3A_40 = tpu.memref_slice %arg3[%dma_start3A] : memref<50000xi32, #tpu.memory_space<hbm>> -> memref<50000xi32, #tpu.memory_space<hbm>>
      tpu.enqueue_indirect_dma source(%dma_start3A_40 : memref<50000xi32, #tpu.memory_space<hbm>>) target(%arg7 : memref<1280xi32, #tpu.memory_space<vmem>>) offsets(%arg6 : memref<1280xi32, #tpu.memory_space<vmem>>) semaphore(%arg9 : memref<!tpu.dma_semaphore, #tpu.memory_space<semaphore_mem>>)
      %dma_wait3A = arith.constant 0 : i32
      %dma_wait3A_41 = tpu.memref_slice %arg3[%dma_wait3A] : memref<50000xi32, #tpu.memory_space<hbm>> -> memref<50000xi32, #tpu.memory_space<hbm>>
      tpu.wait_indirect_dma semaphore(%arg9 : memref<!tpu.dma_semaphore, #tpu.memory_space<semaphore_mem>>) src(%dma_wait3A_41 : memref<50000xi32, #tpu.memory_space<hbm>>) dst(%arg7 : memref<1280xi32, #tpu.memory_space<vmem>>)
      %dma_start3A_42 = arith.constant 0 : i32
      %dma_start3A_43 = arith.constant 0 : i32
      %dma_start3A_44 = tpu.memref_slice %arg4[%dma_start3A_42, %dma_start3A_43] : memref<512x64xf32, #tpu.memory_space<hbm>> -> memref<512x64xf32, #tpu.memory_space<hbm>>
      tpu.enqueue_indirect_dma source(%dma_start3A_44 : memref<512x64xf32, #tpu.memory_space<hbm>>) target(%arg8 : memref<1280x64xf32, #tpu.memory_space<vmem>>) offsets(%arg7 : memref<1280xi32, #tpu.memory_space<vmem>>) semaphore(%arg10 : memref<!tpu.dma_semaphore, #tpu.memory_space<semaphore_mem>>)
      %dma_wait3A_45 = arith.constant 0 : i32
      %dma_wait3A_46 = arith.constant 0 : i32
      %dma_wait3A_47 = tpu.memref_slice %arg4[%dma_wait3A_45, %dma_wait3A_46] : memref<512x64xf32, #tpu.memory_space<hbm>> -> memref<512x64xf32, #tpu.memory_space<hbm>>
      tpu.wait_indirect_dma semaphore(%arg10 : memref<!tpu.dma_semaphore, #tpu.memory_space<semaphore_mem>>) src(%dma_wait3A_47 : memref<512x64xf32, #tpu.memory_space<hbm>>) dst(%arg8 : memref<1280x64xf32, #tpu.memory_space<vmem>>)
      %dma_start3A_48 = arith.constant 0 : i32
      %dma_start3A_49 = arith.constant 0 : i32
      %dma_start3A_50 = tpu.memref_slice %arg8[%dma_start3A_48, %dma_start3A_49] : memref<1280x64xf32, #tpu.memory_space<vmem>> -> memref<640x64xf32, #tpu.memory_space<vmem>>
      %dma_start3A_51 = arith.constant 0 : i32
      %dma_start3A_52 = tpu.memref_slice %arg5[%mul3A_39, %dma_start3A_51] : memref<400000x128xf32, #tpu.memory_space<hbm>> -> memref<640x64xf32, #tpu.memory_space<hbm>>
      %dma_start3A_53 = arith.constant 0 : i32
      %dma_start3A_54 = tpu.memref_slice %arg5[%mul3A_39, %dma_start3A_53] : memref<400000x128xf32, #tpu.memory_space<hbm>> -> memref<640x64xf32, #tpu.memory_space<hbm>>
      %dma_start3A_55 = arith.constant 0 : i32
      %dma_start3A_56 = arith.constant 0 : i32
      %dma_start3A_57 = tpu.memref_slice %arg8[%dma_start3A_55, %dma_start3A_56] : memref<1280x64xf32, #tpu.memory_space<vmem>> -> memref<640x64xf32, #tpu.memory_space<vmem>>
      tpu.enqueue_dma source(%dma_start3A_57 : memref<640x64xf32, #tpu.memory_space<vmem>>) target(%dma_start3A_54 : memref<640x64xf32, #tpu.memory_space<hbm>>) target_semaphore(%arg11 : memref<!tpu.dma_semaphore, #tpu.memory_space<semaphore_mem>>)
      %dma_start3A_58 = arith.constant 640 : i32
      %dma_start3A_59 = arith.constant 0 : i32
      %dma_start3A_60 = tpu.memref_slice %arg8[%dma_start3A_58, %dma_start3A_59] : memref<1280x64xf32, #tpu.memory_space<vmem>> -> memref<640x64xf32, #tpu.memory_space<vmem>>
      %dma_start3A_61 = arith.constant 64 : i32
      %dma_start3A_62 = tpu.memref_slice %arg5[%mul3A_39, %dma_start3A_61] : memref<400000x128xf32, #tpu.memory_space<hbm>> -> memref<640x64xf32, #tpu.memory_space<hbm>>
      %dma_start3A_63 = arith.constant 64 : i32
      %dma_start3A_64 = tpu.memref_slice %arg5[%mul3A_39, %dma_start3A_63] : memref<400000x128xf32, #tpu.memory_space<hbm>> -> memref<640x64xf32, #tpu.memory_space<hbm>>
      %dma_start3A_65 = arith.constant 640 : i32
      %dma_start3A_66 = arith.constant 0 : i32
      %dma_start3A_67 = tpu.memref_slice %arg8[%dma_start3A_65, %dma_start3A_66] : memref<1280x64xf32, #tpu.memory_space<vmem>> -> memref<640x64xf32, #tpu.memory_space<vmem>>
      tpu.enqueue_dma source(%dma_start3A_67 : memref<640x64xf32, #tpu.memory_space<vmem>>) target(%dma_start3A_64 : memref<640x64xf32, #tpu.memory_space<hbm>>) target_semaphore(%arg12 : memref<!tpu.dma_semaphore, #tpu.memory_space<semaphore_mem>>)
      %dma_wait3A_68 = arith.constant 0 : i32
      %dma_wait3A_69 = arith.constant 0 : i32
      %dma_wait3A_70 = tpu.memref_slice %arg8[%dma_wait3A_68, %dma_wait3A_69] : memref<1280x64xf32, #tpu.memory_space<vmem>> -> memref<640x64xf32, #tpu.memory_space<vmem>>
      %dma_wait3A_71 = arith.constant 0 : i32
      %dma_wait3A_72 = tpu.memref_slice %arg5[%mul3A_39, %dma_wait3A_71] : memref<400000x128xf32, #tpu.memory_space<hbm>> -> memref<640x64xf32, #tpu.memory_space<hbm>>
      %dma_wait3A_73 = arith.constant 0 : i32
      %dma_wait3A_74 = tpu.memref_slice %arg5[%mul3A_39, %dma_wait3A_73] : memref<400000x128xf32, #tpu.memory_space<hbm>> -> memref<640x64xf32, #tpu.memory_space<hbm>>
      %dma_wait3A_75 = arith.constant 0 : i32
      %dma_wait3A_76 = arith.constant 0 : i32
      %dma_wait3A_77 = tpu.memref_slice %arg8[%dma_wait3A_75, %dma_wait3A_76] : memref<1280x64xf32, #tpu.memory_space<vmem>> -> memref<640x64xf32, #tpu.memory_space<vmem>>
      tpu.wait_dma2 semaphore(%arg11 : memref<!tpu.dma_semaphore, #tpu.memory_space<semaphore_mem>>) src(%dma_wait3A_77 : memref<640x64xf32, #tpu.memory_space<vmem>>) dst(%dma_wait3A_74 : memref<640x64xf32, #tpu.memory_space<hbm>>)
      %dma_wait3A_78 = arith.constant 640 : i32
      %dma_wait3A_79 = arith.constant 0 : i32
      %dma_wait3A_80 = tpu.memref_slice %arg8[%dma_wait3A_78, %dma_wait3A_79] : memref<1280x64xf32, #tpu.memory_space<vmem>> -> memref<640x64xf32, #tpu.memory_space<vmem>>
      %dma_wait3A_81 = arith.constant 64 : i32
      %dma_wait3A_82 = tpu.memref_slice %arg5[%mul3A_39, %dma_wait3A_81] : memref<400000x128xf32, #tpu.memory_space<hbm>> -> memref<640x64xf32, #tpu.memory_space<hbm>>
      %dma_wait3A_83 = arith.constant 64 : i32
      %dma_wait3A_84 = tpu.memref_slice %arg5[%mul3A_39, %dma_wait3A_83] : memref<400000x128xf32, #tpu.memory_space<hbm>> -> memref<640x64xf32, #tpu.memory_space<hbm>>
      %dma_wait3A_85 = arith.constant 640 : i32
      %dma_wait3A_86 = arith.constant 0 : i32
      %dma_wait3A_87 = tpu.memref_slice %arg8[%dma_wait3A_85, %dma_wait3A_86] : memref<1280x64xf32, #tpu.memory_space<vmem>> -> memref<640x64xf32, #tpu.memory_space<vmem>>
      tpu.wait_dma2 semaphore(%arg12 : memref<!tpu.dma_semaphore, #tpu.memory_space<semaphore_mem>>) src(%dma_wait3A_87 : memref<640x64xf32, #tpu.memory_space<vmem>>) dst(%dma_wait3A_84 : memref<640x64xf32, #tpu.memory_space<hbm>>)
    }
    return
  }
}

module attributes {stable_mosaic.version = 14 : i64} {
  func.func @_relayout_body(%arg0: i32, %arg1: memref<16000x128xf32, #tpu.memory_space<vmem>>, %arg2: memref<64x32000xf32, #tpu.memory_space<vmem>>) attributes {dimension_semantics = [#tpu.dimension_semantics<arbitrary>], iteration_bounds = array<i64: 25>, scalar_prefetch = 0 : i64, scratch_operands = 0 : i64, tpu.core_type = #tpu.core_type<tc>, window_params = [{transform_indices = @transform_0, window_bounds = array<i64: 16000, 128>}, {transform_indices = @transform_1, window_bounds = array<i64: 64, 32000>}]} {
    %get3A = arith.constant 0 : index
    %get3A_0 = arith.constant 0 : index
    %get3A_1 = vector.load %arg1[%get3A, %get3A_0] : memref<16000x128xf32, #tpu.memory_space<vmem>>, vector<16000x128xf32>
    %transpose3A = tpu.transpose %get3A_1, [1, 0] : vector<16000x128xf32> -> vector<128x16000xf32>
    %slice3A = vector.extract_strided_slice %transpose3A {offsets = [0, 0], sizes = [64, 640], strides = [1, 1]} : vector<128x16000xf32> to vector<64x640xf32>
    %swap3A = arith.constant 0 : index
    %swap3A_2 = arith.constant 0 : index
    %swap3A_3 = vector.load %arg2[%swap3A, %swap3A_2] : memref<64x32000xf32, #tpu.memory_space<vmem>>, vector<64x640xf32>
    tpu.vector_store %arg2[%swap3A, %swap3A_2], %slice3A {strides = array<i32>} : memref<64x32000xf32, #tpu.memory_space<vmem>>, vector<64x640xf32>,
    %slice3A_4 = vector.extract_strided_slice %transpose3A {offsets = [64, 0], sizes = [64, 640], strides = [1, 1]} : vector<128x16000xf32> to vector<64x640xf32>
    %swap3A_5 = arith.constant 0 : index
    %swap3A_6 = arith.constant 640 : index
    %swap3A_7 = vector.load %arg2[%swap3A_5, %swap3A_6] : memref<64x32000xf32, #tpu.memory_space<vmem>>, vector<64x640xf32>
    tpu.vector_store %arg2[%swap3A_5, %swap3A_6], %slice3A_4 {strides = array<i32>} : memref<64x32000xf32, #tpu.memory_space<vmem>>, vector<64x640xf32>,
    %slice3A_8 = vector.extract_strided_slice %transpose3A {offsets = [0, 640], sizes = [64, 640], strides = [1, 1]} : vector<128x16000xf32> to vector<64x640xf32>
    %swap3A_9 = arith.constant 0 : index
    %swap3A_10 = arith.constant 1280 : index
    %swap3A_11 = vector.load %arg2[%swap3A_9, %swap3A_10] : memref<64x32000xf32, #tpu.memory_space<vmem>>, vector<64x640xf32>
    tpu.vector_store %arg2[%swap3A_9, %swap3A_10], %slice3A_8 {strides = array<i32>} : memref<64x32000xf32, #tpu.memory_space<vmem>>, vector<64x640xf32>,
    %slice3A_12 = vector.extract_strided_slice %transpose3A {offsets = [64, 640], sizes = [64, 640], strides = [1, 1]} : vector<128x16000xf32> to vector<64x640xf32>
    %swap3A_13 = arith.constant 0 : index
    %swap3A_14 = arith.constant 1920 : index
    %swap3A_15 = vector.load %arg2[%swap3A_13, %swap3A_14] : memref<64x32000xf32, #tpu.memory_space<vmem>>, vector<64x640xf32>
    tpu.vector_store %arg2[%swap3A_13, %swap3A_14], %slice3A_12 {strides = array<i32>} : memref<64x32000xf32, #tpu.memory_space<vmem>>, vector<64x640xf32>,
    %slice3A_16 = vector.extract_strided_slice %transpose3A {offsets = [0, 1280], sizes = [64, 640], strides = [1, 1]} : vector<128x16000xf32> to vector<64x640xf32>
    %swap3A_17 = arith.constant 0 : index
    %swap3A_18 = arith.constant 2560 : index
    %swap3A_19 = vector.load %arg2[%swap3A_17, %swap3A_18] : memref<64x32000xf32, #tpu.memory_space<vmem>>, vector<64x640xf32>
    tpu.vector_store %arg2[%swap3A_17, %swap3A_18], %slice3A_16 {strides = array<i32>} : memref<64x32000xf32, #tpu.memory_space<vmem>>, vector<64x640xf32>,
    %slice3A_20 = vector.extract_strided_slice %transpose3A {offsets = [64, 1280], sizes = [64, 640], strides = [1, 1]} : vector<128x16000xf32> to vector<64x640xf32>
    %swap3A_21 = arith.constant 0 : index
    %swap3A_22 = arith.constant 3200 : index
    %swap3A_23 = vector.load %arg2[%swap3A_21, %swap3A_22] : memref<64x32000xf32, #tpu.memory_space<vmem>>, vector<64x640xf32>
    tpu.vector_store %arg2[%swap3A_21, %swap3A_22], %slice3A_20 {strides = array<i32>} : memref<64x32000xf32, #tpu.memory_space<vmem>>, vector<64x640xf32>,
    %slice3A_24 = vector.extract_strided_slice %transpose3A {offsets = [0, 1920], sizes = [64, 640], strides = [1, 1]} : vector<128x16000xf32> to vector<64x640xf32>
    %swap3A_25 = arith.constant 0 : index
    %swap3A_26 = arith.constant 3840 : index
    %swap3A_27 = vector.load %arg2[%swap3A_25, %swap3A_26] : memref<64x32000xf32, #tpu.memory_space<vmem>>, vector<64x640xf32>
    tpu.vector_store %arg2[%swap3A_25, %swap3A_26], %slice3A_24 {strides = array<i32>} : memref<64x32000xf32, #tpu.memory_space<vmem>>, vector<64x640xf32>,
    %slice3A_28 = vector.extract_strided_slice %transpose3A {offsets = [64, 1920], sizes = [64, 640], strides = [1, 1]} : vector<128x16000xf32> to vector<64x640xf32>
    %swap3A_29 = arith.constant 0 : index
    %swap3A_30 = arith.constant 4480 : index
    %swap3A_31 = vector.load %arg2[%swap3A_29, %swap3A_30] : memref<64x32000xf32, #tpu.memory_space<vmem>>, vector<64x640xf32>
    tpu.vector_store %arg2[%swap3A_29, %swap3A_30], %slice3A_28 {strides = array<i32>} : memref<64x32000xf32, #tpu.memory_space<vmem>>, vector<64x640xf32>,
    %slice3A_32 = vector.extract_strided_slice %transpose3A {offsets = [0, 2560], sizes = [64, 640], strides = [1, 1]} : vector<128x16000xf32> to vector<64x640xf32>
    %swap3A_33 = arith.constant 0 : index
    %swap3A_34 = arith.constant 5120 : index
    %swap3A_35 = vector.load %arg2[%swap3A_33, %swap3A_34] : memref<64x32000xf32, #tpu.memory_space<vmem>>, vector<64x640xf32>
    tpu.vector_store %arg2[%swap3A_33, %swap3A_34], %slice3A_32 {strides = array<i32>} : memref<64x32000xf32, #tpu.memory_space<vmem>>, vector<64x640xf32>,
    %slice3A_36 = vector.extract_strided_slice %transpose3A {offsets = [64, 2560], sizes = [64, 640], strides = [1, 1]} : vector<128x16000xf32> to vector<64x640xf32>
    %swap3A_37 = arith.constant 0 : index
    %swap3A_38 = arith.constant 5760 : index
    %swap3A_39 = vector.load %arg2[%swap3A_37, %swap3A_38] : memref<64x32000xf32, #tpu.memory_space<vmem>>, vector<64x640xf32>
    tpu.vector_store %arg2[%swap3A_37, %swap3A_38], %slice3A_36 {strides = array<i32>} : memref<64x32000xf32, #tpu.memory_space<vmem>>, vector<64x640xf32>,
    %slice3A_40 = vector.extract_strided_slice %transpose3A {offsets = [0, 3200], sizes = [64, 640], strides = [1, 1]} : vector<128x16000xf32> to vector<64x640xf32>
    %swap3A_41 = arith.constant 0 : index
    %swap3A_42 = arith.constant 6400 : index
    %swap3A_43 = vector.load %arg2[%swap3A_41, %swap3A_42] : memref<64x32000xf32, #tpu.memory_space<vmem>>, vector<64x640xf32>
    tpu.vector_store %arg2[%swap3A_41, %swap3A_42], %slice3A_40 {strides = array<i32>} : memref<64x32000xf32, #tpu.memory_space<vmem>>, vector<64x640xf32>,
    %slice3A_44 = vector.extract_strided_slice %transpose3A {offsets = [64, 3200], sizes = [64, 640], strides = [1, 1]} : vector<128x16000xf32> to vector<64x640xf32>
    %swap3A_45 = arith.constant 0 : index
    %swap3A_46 = arith.constant 7040 : index
    %swap3A_47 = vector.load %arg2[%swap3A_45, %swap3A_46] : memref<64x32000xf32, #tpu.memory_space<vmem>>, vector<64x640xf32>
    tpu.vector_store %arg2[%swap3A_45, %swap3A_46], %slice3A_44 {strides = array<i32>} : memref<64x32000xf32, #tpu.memory_space<vmem>>, vector<64x640xf32>,
    %slice3A_48 = vector.extract_strided_slice %transpose3A {offsets = [0, 3840], sizes = [64, 640], strides = [1, 1]} : vector<128x16000xf32> to vector<64x640xf32>
    %swap3A_49 = arith.constant 0 : index
    %swap3A_50 = arith.constant 7680 : index
    %swap3A_51 = vector.load %arg2[%swap3A_49, %swap3A_50] : memref<64x32000xf32, #tpu.memory_space<vmem>>, vector<64x640xf32>
    tpu.vector_store %arg2[%swap3A_49, %swap3A_50], %slice3A_48 {strides = array<i32>} : memref<64x32000xf32, #tpu.memory_space<vmem>>, vector<64x640xf32>,
    %slice3A_52 = vector.extract_strided_slice %transpose3A {offsets = [64, 3840], sizes = [64, 640], strides = [1, 1]} : vector<128x16000xf32> to vector<64x640xf32>
    %swap3A_53 = arith.constant 0 : index
    %swap3A_54 = arith.constant 8320 : index
    %swap3A_55 = vector.load %arg2[%swap3A_53, %swap3A_54] : memref<64x32000xf32, #tpu.memory_space<vmem>>, vector<64x640xf32>
    tpu.vector_store %arg2[%swap3A_53, %swap3A_54], %slice3A_52 {strides = array<i32>} : memref<64x32000xf32, #tpu.memory_space<vmem>>, vector<64x640xf32>,
    %slice3A_56 = vector.extract_strided_slice %transpose3A {offsets = [0, 4480], sizes = [64, 640], strides = [1, 1]} : vector<128x16000xf32> to vector<64x640xf32>
    %swap3A_57 = arith.constant 0 : index
    %swap3A_58 = arith.constant 8960 : index
    %swap3A_59 = vector.load %arg2[%swap3A_57, %swap3A_58] : memref<64x32000xf32, #tpu.memory_space<vmem>>, vector<64x640xf32>
    tpu.vector_store %arg2[%swap3A_57, %swap3A_58], %slice3A_56 {strides = array<i32>} : memref<64x32000xf32, #tpu.memory_space<vmem>>, vector<64x640xf32>,
    %slice3A_60 = vector.extract_strided_slice %transpose3A {offsets = [64, 4480], sizes = [64, 640], strides = [1, 1]} : vector<128x16000xf32> to vector<64x640xf32>
    %swap3A_61 = arith.constant 0 : index
    %swap3A_62 = arith.constant 9600 : index
    %swap3A_63 = vector.load %arg2[%swap3A_61, %swap3A_62] : memref<64x32000xf32, #tpu.memory_space<vmem>>, vector<64x640xf32>
    tpu.vector_store %arg2[%swap3A_61, %swap3A_62], %slice3A_60 {strides = array<i32>} : memref<64x32000xf32, #tpu.memory_space<vmem>>, vector<64x640xf32>,
    %slice3A_64 = vector.extract_strided_slice %transpose3A {offsets = [0, 5120], sizes = [64, 640], strides = [1, 1]} : vector<128x16000xf32> to vector<64x640xf32>
    %swap3A_65 = arith.constant 0 : index
    %swap3A_66 = arith.constant 10240 : index
    %swap3A_67 = vector.load %arg2[%swap3A_65, %swap3A_66] : memref<64x32000xf32, #tpu.memory_space<vmem>>, vector<64x640xf32>
    tpu.vector_store %arg2[%swap3A_65, %swap3A_66], %slice3A_64 {strides = array<i32>} : memref<64x32000xf32, #tpu.memory_space<vmem>>, vector<64x640xf32>,
    %slice3A_68 = vector.extract_strided_slice %transpose3A {offsets = [64, 5120], sizes = [64, 640], strides = [1, 1]} : vector<128x16000xf32> to vector<64x640xf32>
    %swap3A_69 = arith.constant 0 : index
    %swap3A_70 = arith.constant 10880 : index
    %swap3A_71 = vector.load %arg2[%swap3A_69, %swap3A_70] : memref<64x32000xf32, #tpu.memory_space<vmem>>, vector<64x640xf32>
    tpu.vector_store %arg2[%swap3A_69, %swap3A_70], %slice3A_68 {strides = array<i32>} : memref<64x32000xf32, #tpu.memory_space<vmem>>, vector<64x640xf32>,
    %slice3A_72 = vector.extract_strided_slice %transpose3A {offsets = [0, 5760], sizes = [64, 640], strides = [1, 1]} : vector<128x16000xf32> to vector<64x640xf32>
    %swap3A_73 = arith.constant 0 : index
    %swap3A_74 = arith.constant 11520 : index
    %swap3A_75 = vector.load %arg2[%swap3A_73, %swap3A_74] : memref<64x32000xf32, #tpu.memory_space<vmem>>, vector<64x640xf32>
    tpu.vector_store %arg2[%swap3A_73, %swap3A_74], %slice3A_72 {strides = array<i32>} : memref<64x32000xf32, #tpu.memory_space<vmem>>, vector<64x640xf32>,
    %slice3A_76 = vector.extract_strided_slice %transpose3A {offsets = [64, 5760], sizes = [64, 640], strides = [1, 1]} : vector<128x16000xf32> to vector<64x640xf32>
    %swap3A_77 = arith.constant 0 : index
    %swap3A_78 = arith.constant 12160 : index
    %swap3A_79 = vector.load %arg2[%swap3A_77, %swap3A_78] : memref<64x32000xf32, #tpu.memory_space<vmem>>, vector<64x640xf32>
    tpu.vector_store %arg2[%swap3A_77, %swap3A_78], %slice3A_76 {strides = array<i32>} : memref<64x32000xf32, #tpu.memory_space<vmem>>, vector<64x640xf32>,
    %slice3A_80 = vector.extract_strided_slice %transpose3A {offsets = [0, 6400], sizes = [64, 640], strides = [1, 1]} : vector<128x16000xf32> to vector<64x640xf32>
    %swap3A_81 = arith.constant 0 : index
    %swap3A_82 = arith.constant 12800 : index
    %swap3A_83 = vector.load %arg2[%swap3A_81, %swap3A_82] : memref<64x32000xf32, #tpu.memory_space<vmem>>, vector<64x640xf32>
    tpu.vector_store %arg2[%swap3A_81, %swap3A_82], %slice3A_80 {strides = array<i32>} : memref<64x32000xf32, #tpu.memory_space<vmem>>, vector<64x640xf32>,
    %slice3A_84 = vector.extract_strided_slice %transpose3A {offsets = [64, 6400], sizes = [64, 640], strides = [1, 1]} : vector<128x16000xf32> to vector<64x640xf32>
    %swap3A_85 = arith.constant 0 : index
    %swap3A_86 = arith.constant 13440 : index
    %swap3A_87 = vector.load %arg2[%swap3A_85, %swap3A_86] : memref<64x32000xf32, #tpu.memory_space<vmem>>, vector<64x640xf32>
    tpu.vector_store %arg2[%swap3A_85, %swap3A_86], %slice3A_84 {strides = array<i32>} : memref<64x32000xf32, #tpu.memory_space<vmem>>, vector<64x640xf32>,
    %slice3A_88 = vector.extract_strided_slice %transpose3A {offsets = [0, 7040], sizes = [64, 640], strides = [1, 1]} : vector<128x16000xf32> to vector<64x640xf32>
    %swap3A_89 = arith.constant 0 : index
    %swap3A_90 = arith.constant 14080 : index
    %swap3A_91 = vector.load %arg2[%swap3A_89, %swap3A_90] : memref<64x32000xf32, #tpu.memory_space<vmem>>, vector<64x640xf32>
    tpu.vector_store %arg2[%swap3A_89, %swap3A_90], %slice3A_88 {strides = array<i32>} : memref<64x32000xf32, #tpu.memory_space<vmem>>, vector<64x640xf32>,
    %slice3A_92 = vector.extract_strided_slice %transpose3A {offsets = [64, 7040], sizes = [64, 640], strides = [1, 1]} : vector<128x16000xf32> to vector<64x640xf32>
    %swap3A_93 = arith.constant 0 : index
    %swap3A_94 = arith.constant 14720 : index
    %swap3A_95 = vector.load %arg2[%swap3A_93, %swap3A_94] : memref<64x32000xf32, #tpu.memory_space<vmem>>, vector<64x640xf32>
    tpu.vector_store %arg2[%swap3A_93, %swap3A_94], %slice3A_92 {strides = array<i32>} : memref<64x32000xf32, #tpu.memory_space<vmem>>, vector<64x640xf32>,
    %slice3A_96 = vector.extract_strided_slice %transpose3A {offsets = [0, 7680], sizes = [64, 640], strides = [1, 1]} : vector<128x16000xf32> to vector<64x640xf32>
    %swap3A_97 = arith.constant 0 : index
    %swap3A_98 = arith.constant 15360 : index
    %swap3A_99 = vector.load %arg2[%swap3A_97, %swap3A_98] : memref<64x32000xf32, #tpu.memory_space<vmem>>, vector<64x640xf32>
    tpu.vector_store %arg2[%swap3A_97, %swap3A_98], %slice3A_96 {strides = array<i32>} : memref<64x32000xf32, #tpu.memory_space<vmem>>, vector<64x640xf32>,
    %slice3A_100 = vector.extract_strided_slice %transpose3A {offsets = [64, 7680], sizes = [64, 640], strides = [1, 1]} : vector<128x16000xf32> to vector<64x640xf32>
    %swap3A_101 = arith.constant 0 : index
    %swap3A_102 = arith.constant 16000 : index
    %swap3A_103 = vector.load %arg2[%swap3A_101, %swap3A_102] : memref<64x32000xf32, #tpu.memory_space<vmem>>, vector<64x640xf32>
    tpu.vector_store %arg2[%swap3A_101, %swap3A_102], %slice3A_100 {strides = array<i32>} : memref<64x32000xf32, #tpu.memory_space<vmem>>, vector<64x640xf32>,
    %slice3A_104 = vector.extract_strided_slice %transpose3A {offsets = [0, 8320], sizes = [64, 640], strides = [1, 1]} : vector<128x16000xf32> to vector<64x640xf32>
    %swap3A_105 = arith.constant 0 : index
    %swap3A_106 = arith.constant 16640 : index
    %swap3A_107 = vector.load %arg2[%swap3A_105, %swap3A_106] : memref<64x32000xf32, #tpu.memory_space<vmem>>, vector<64x640xf32>
    tpu.vector_store %arg2[%swap3A_105, %swap3A_106], %slice3A_104 {strides = array<i32>} : memref<64x32000xf32, #tpu.memory_space<vmem>>, vector<64x640xf32>,
    %slice3A_108 = vector.extract_strided_slice %transpose3A {offsets = [64, 8320], sizes = [64, 640], strides = [1, 1]} : vector<128x16000xf32> to vector<64x640xf32>
    %swap3A_109 = arith.constant 0 : index
    %swap3A_110 = arith.constant 17280 : index
    %swap3A_111 = vector.load %arg2[%swap3A_109, %swap3A_110] : memref<64x32000xf32, #tpu.memory_space<vmem>>, vector<64x640xf32>
    tpu.vector_store %arg2[%swap3A_109, %swap3A_110], %slice3A_108 {strides = array<i32>} : memref<64x32000xf32, #tpu.memory_space<vmem>>, vector<64x640xf32>,
    %slice3A_112 = vector.extract_strided_slice %transpose3A {offsets = [0, 8960], sizes = [64, 640], strides = [1, 1]} : vector<128x16000xf32> to vector<64x640xf32>
    %swap3A_113 = arith.constant 0 : index
    %swap3A_114 = arith.constant 17920 : index
    %swap3A_115 = vector.load %arg2[%swap3A_113, %swap3A_114] : memref<64x32000xf32, #tpu.memory_space<vmem>>, vector<64x640xf32>
    tpu.vector_store %arg2[%swap3A_113, %swap3A_114], %slice3A_112 {strides = array<i32>} : memref<64x32000xf32, #tpu.memory_space<vmem>>, vector<64x640xf32>,
    %slice3A_116 = vector.extract_strided_slice %transpose3A {offsets = [64, 8960], sizes = [64, 640], strides = [1, 1]} : vector<128x16000xf32> to vector<64x640xf32>
    %swap3A_117 = arith.constant 0 : index
    %swap3A_118 = arith.constant 18560 : index
    %swap3A_119 = vector.load %arg2[%swap3A_117, %swap3A_118] : memref<64x32000xf32, #tpu.memory_space<vmem>>, vector<64x640xf32>
    tpu.vector_store %arg2[%swap3A_117, %swap3A_118], %slice3A_116 {strides = array<i32>} : memref<64x32000xf32, #tpu.memory_space<vmem>>, vector<64x640xf32>,
    %slice3A_120 = vector.extract_strided_slice %transpose3A {offsets = [0, 9600], sizes = [64, 640], strides = [1, 1]} : vector<128x16000xf32> to vector<64x640xf32>
    %swap3A_121 = arith.constant 0 : index
    %swap3A_122 = arith.constant 19200 : index
    %swap3A_123 = vector.load %arg2[%swap3A_121, %swap3A_122] : memref<64x32000xf32, #tpu.memory_space<vmem>>, vector<64x640xf32>
    tpu.vector_store %arg2[%swap3A_121, %swap3A_122], %slice3A_120 {strides = array<i32>} : memref<64x32000xf32, #tpu.memory_space<vmem>>, vector<64x640xf32>,
    %slice3A_124 = vector.extract_strided_slice %transpose3A {offsets = [64, 9600], sizes = [64, 640], strides = [1, 1]} : vector<128x16000xf32> to vector<64x640xf32>
    %swap3A_125 = arith.constant 0 : index
    %swap3A_126 = arith.constant 19840 : index
    %swap3A_127 = vector.load %arg2[%swap3A_125, %swap3A_126] : memref<64x32000xf32, #tpu.memory_space<vmem>>, vector<64x640xf32>
    tpu.vector_store %arg2[%swap3A_125, %swap3A_126], %slice3A_124 {strides = array<i32>} : memref<64x32000xf32, #tpu.memory_space<vmem>>, vector<64x640xf32>,
    %slice3A_128 = vector.extract_strided_slice %transpose3A {offsets = [0, 10240], sizes = [64, 640], strides = [1, 1]} : vector<128x16000xf32> to vector<64x640xf32>
    %swap3A_129 = arith.constant 0 : index
    %swap3A_130 = arith.constant 20480 : index
    %swap3A_131 = vector.load %arg2[%swap3A_129, %swap3A_130] : memref<64x32000xf32, #tpu.memory_space<vmem>>, vector<64x640xf32>
    tpu.vector_store %arg2[%swap3A_129, %swap3A_130], %slice3A_128 {strides = array<i32>} : memref<64x32000xf32, #tpu.memory_space<vmem>>, vector<64x640xf32>,
    %slice3A_132 = vector.extract_strided_slice %transpose3A {offsets = [64, 10240], sizes = [64, 640], strides = [1, 1]} : vector<128x16000xf32> to vector<64x640xf32>
    %swap3A_133 = arith.constant 0 : index
    %swap3A_134 = arith.constant 21120 : index
    %swap3A_135 = vector.load %arg2[%swap3A_133, %swap3A_134] : memref<64x32000xf32, #tpu.memory_space<vmem>>, vector<64x640xf32>
    tpu.vector_store %arg2[%swap3A_133, %swap3A_134], %slice3A_132 {strides = array<i32>} : memref<64x32000xf32, #tpu.memory_space<vmem>>, vector<64x640xf32>,
    %slice3A_136 = vector.extract_strided_slice %transpose3A {offsets = [0, 10880], sizes = [64, 640], strides = [1, 1]} : vector<128x16000xf32> to vector<64x640xf32>
    %swap3A_137 = arith.constant 0 : index
    %swap3A_138 = arith.constant 21760 : index
    %swap3A_139 = vector.load %arg2[%swap3A_137, %swap3A_138] : memref<64x32000xf32, #tpu.memory_space<vmem>>, vector<64x640xf32>
    tpu.vector_store %arg2[%swap3A_137, %swap3A_138], %slice3A_136 {strides = array<i32>} : memref<64x32000xf32, #tpu.memory_space<vmem>>, vector<64x640xf32>,
    %slice3A_140 = vector.extract_strided_slice %transpose3A {offsets = [64, 10880], sizes = [64, 640], strides = [1, 1]} : vector<128x16000xf32> to vector<64x640xf32>
    %swap3A_141 = arith.constant 0 : index
    %swap3A_142 = arith.constant 22400 : index
    %swap3A_143 = vector.load %arg2[%swap3A_141, %swap3A_142] : memref<64x32000xf32, #tpu.memory_space<vmem>>, vector<64x640xf32>
    tpu.vector_store %arg2[%swap3A_141, %swap3A_142], %slice3A_140 {strides = array<i32>} : memref<64x32000xf32, #tpu.memory_space<vmem>>, vector<64x640xf32>,
    %slice3A_144 = vector.extract_strided_slice %transpose3A {offsets = [0, 11520], sizes = [64, 640], strides = [1, 1]} : vector<128x16000xf32> to vector<64x640xf32>
    %swap3A_145 = arith.constant 0 : index
    %swap3A_146 = arith.constant 23040 : index
    %swap3A_147 = vector.load %arg2[%swap3A_145, %swap3A_146] : memref<64x32000xf32, #tpu.memory_space<vmem>>, vector<64x640xf32>
    tpu.vector_store %arg2[%swap3A_145, %swap3A_146], %slice3A_144 {strides = array<i32>} : memref<64x32000xf32, #tpu.memory_space<vmem>>, vector<64x640xf32>,
    %slice3A_148 = vector.extract_strided_slice %transpose3A {offsets = [64, 11520], sizes = [64, 640], strides = [1, 1]} : vector<128x16000xf32> to vector<64x640xf32>
    %swap3A_149 = arith.constant 0 : index
    %swap3A_150 = arith.constant 23680 : index
    %swap3A_151 = vector.load %arg2[%swap3A_149, %swap3A_150] : memref<64x32000xf32, #tpu.memory_space<vmem>>, vector<64x640xf32>
    tpu.vector_store %arg2[%swap3A_149, %swap3A_150], %slice3A_148 {strides = array<i32>} : memref<64x32000xf32, #tpu.memory_space<vmem>>, vector<64x640xf32>,
    %slice3A_152 = vector.extract_strided_slice %transpose3A {offsets = [0, 12160], sizes = [64, 640], strides = [1, 1]} : vector<128x16000xf32> to vector<64x640xf32>
    %swap3A_153 = arith.constant 0 : index
    %swap3A_154 = arith.constant 24320 : index
    %swap3A_155 = vector.load %arg2[%swap3A_153, %swap3A_154] : memref<64x32000xf32, #tpu.memory_space<vmem>>, vector<64x640xf32>
    tpu.vector_store %arg2[%swap3A_153, %swap3A_154], %slice3A_152 {strides = array<i32>} : memref<64x32000xf32, #tpu.memory_space<vmem>>, vector<64x640xf32>,
    %slice3A_156 = vector.extract_strided_slice %transpose3A {offsets = [64, 12160], sizes = [64, 640], strides = [1, 1]} : vector<128x16000xf32> to vector<64x640xf32>
    %swap3A_157 = arith.constant 0 : index
    %swap3A_158 = arith.constant 24960 : index
    %swap3A_159 = vector.load %arg2[%swap3A_157, %swap3A_158] : memref<64x32000xf32, #tpu.memory_space<vmem>>, vector<64x640xf32>
    tpu.vector_store %arg2[%swap3A_157, %swap3A_158], %slice3A_156 {strides = array<i32>} : memref<64x32000xf32, #tpu.memory_space<vmem>>, vector<64x640xf32>,
    %slice3A_160 = vector.extract_strided_slice %transpose3A {offsets = [0, 12800], sizes = [64, 640], strides = [1, 1]} : vector<128x16000xf32> to vector<64x640xf32>
    %swap3A_161 = arith.constant 0 : index
    %swap3A_162 = arith.constant 25600 : index
    %swap3A_163 = vector.load %arg2[%swap3A_161, %swap3A_162] : memref<64x32000xf32, #tpu.memory_space<vmem>>, vector<64x640xf32>
    tpu.vector_store %arg2[%swap3A_161, %swap3A_162], %slice3A_160 {strides = array<i32>} : memref<64x32000xf32, #tpu.memory_space<vmem>>, vector<64x640xf32>,
    %slice3A_164 = vector.extract_strided_slice %transpose3A {offsets = [64, 12800], sizes = [64, 640], strides = [1, 1]} : vector<128x16000xf32> to vector<64x640xf32>
    %swap3A_165 = arith.constant 0 : index
    %swap3A_166 = arith.constant 26240 : index
    %swap3A_167 = vector.load %arg2[%swap3A_165, %swap3A_166] : memref<64x32000xf32, #tpu.memory_space<vmem>>, vector<64x640xf32>
    tpu.vector_store %arg2[%swap3A_165, %swap3A_166], %slice3A_164 {strides = array<i32>} : memref<64x32000xf32, #tpu.memory_space<vmem>>, vector<64x640xf32>,
    %slice3A_168 = vector.extract_strided_slice %transpose3A {offsets = [0, 13440], sizes = [64, 640], strides = [1, 1]} : vector<128x16000xf32> to vector<64x640xf32>
    %swap3A_169 = arith.constant 0 : index
    %swap3A_170 = arith.constant 26880 : index
    %swap3A_171 = vector.load %arg2[%swap3A_169, %swap3A_170] : memref<64x32000xf32, #tpu.memory_space<vmem>>, vector<64x640xf32>
    tpu.vector_store %arg2[%swap3A_169, %swap3A_170], %slice3A_168 {strides = array<i32>} : memref<64x32000xf32, #tpu.memory_space<vmem>>, vector<64x640xf32>,
    %slice3A_172 = vector.extract_strided_slice %transpose3A {offsets = [64, 13440], sizes = [64, 640], strides = [1, 1]} : vector<128x16000xf32> to vector<64x640xf32>
    %swap3A_173 = arith.constant 0 : index
    %swap3A_174 = arith.constant 27520 : index
    %swap3A_175 = vector.load %arg2[%swap3A_173, %swap3A_174] : memref<64x32000xf32, #tpu.memory_space<vmem>>, vector<64x640xf32>
    tpu.vector_store %arg2[%swap3A_173, %swap3A_174], %slice3A_172 {strides = array<i32>} : memref<64x32000xf32, #tpu.memory_space<vmem>>, vector<64x640xf32>,
    %slice3A_176 = vector.extract_strided_slice %transpose3A {offsets = [0, 14080], sizes = [64, 640], strides = [1, 1]} : vector<128x16000xf32> to vector<64x640xf32>
    %swap3A_177 = arith.constant 0 : index
    %swap3A_178 = arith.constant 28160 : index
    %swap3A_179 = vector.load %arg2[%swap3A_177, %swap3A_178] : memref<64x32000xf32, #tpu.memory_space<vmem>>, vector<64x640xf32>
    tpu.vector_store %arg2[%swap3A_177, %swap3A_178], %slice3A_176 {strides = array<i32>} : memref<64x32000xf32, #tpu.memory_space<vmem>>, vector<64x640xf32>,
    %slice3A_180 = vector.extract_strided_slice %transpose3A {offsets = [64, 14080], sizes = [64, 640], strides = [1, 1]} : vector<128x16000xf32> to vector<64x640xf32>
    %swap3A_181 = arith.constant 0 : index
    %swap3A_182 = arith.constant 28800 : index
    %swap3A_183 = vector.load %arg2[%swap3A_181, %swap3A_182] : memref<64x32000xf32, #tpu.memory_space<vmem>>, vector<64x640xf32>
    tpu.vector_store %arg2[%swap3A_181, %swap3A_182], %slice3A_180 {strides = array<i32>} : memref<64x32000xf32, #tpu.memory_space<vmem>>, vector<64x640xf32>,
    %slice3A_184 = vector.extract_strided_slice %transpose3A {offsets = [0, 14720], sizes = [64, 640], strides = [1, 1]} : vector<128x16000xf32> to vector<64x640xf32>
    %swap3A_185 = arith.constant 0 : index
    %swap3A_186 = arith.constant 29440 : index
    %swap3A_187 = vector.load %arg2[%swap3A_185, %swap3A_186] : memref<64x32000xf32, #tpu.memory_space<vmem>>, vector<64x640xf32>
    tpu.vector_store %arg2[%swap3A_185, %swap3A_186], %slice3A_184 {strides = array<i32>} : memref<64x32000xf32, #tpu.memory_space<vmem>>, vector<64x640xf32>,
    %slice3A_188 = vector.extract_strided_slice %transpose3A {offsets = [64, 14720], sizes = [64, 640], strides = [1, 1]} : vector<128x16000xf32> to vector<64x640xf32>
    %swap3A_189 = arith.constant 0 : index
    %swap3A_190 = arith.constant 30080 : index
    %swap3A_191 = vector.load %arg2[%swap3A_189, %swap3A_190] : memref<64x32000xf32, #tpu.memory_space<vmem>>, vector<64x640xf32>
    tpu.vector_store %arg2[%swap3A_189, %swap3A_190], %slice3A_188 {strides = array<i32>} : memref<64x32000xf32, #tpu.memory_space<vmem>>, vector<64x640xf32>,
    %slice3A_192 = vector.extract_strided_slice %transpose3A {offsets = [0, 15360], sizes = [64, 640], strides = [1, 1]} : vector<128x16000xf32> to vector<64x640xf32>
    %swap3A_193 = arith.constant 0 : index
    %swap3A_194 = arith.constant 30720 : index
    %swap3A_195 = vector.load %arg2[%swap3A_193, %swap3A_194] : memref<64x32000xf32, #tpu.memory_space<vmem>>, vector<64x640xf32>
    tpu.vector_store %arg2[%swap3A_193, %swap3A_194], %slice3A_192 {strides = array<i32>} : memref<64x32000xf32, #tpu.memory_space<vmem>>, vector<64x640xf32>,
    %slice3A_196 = vector.extract_strided_slice %transpose3A {offsets = [64, 15360], sizes = [64, 640], strides = [1, 1]} : vector<128x16000xf32> to vector<64x640xf32>
    %swap3A_197 = arith.constant 0 : index
    %swap3A_198 = arith.constant 31360 : index
    %swap3A_199 = vector.load %arg2[%swap3A_197, %swap3A_198] : memref<64x32000xf32, #tpu.memory_space<vmem>>, vector<64x640xf32>
    tpu.vector_store %arg2[%swap3A_197, %swap3A_198], %slice3A_196 {strides = array<i32>} : memref<64x32000xf32, #tpu.memory_space<vmem>>, vector<64x640xf32>,
    return
  }
  func.func @transform_0(%arg0: i32) -> (i32, i32) {
    %c0_i32 = arith.constant 0 : i32
    %c0_i32_0 = arith.constant 0 : i32
    return %arg0, %c0_i32 : i32, i32
  }
  func.func @transform_1(%arg0: i32) -> (i32, i32) {
    %c0_i32 = arith.constant 0 : i32
    %c0_i32_0 = arith.constant 0 : i32
    return %c0_i32, %arg0 : i32, i32
  }
}

module attributes {stable_mosaic.version = 14 : i64} {
  func.func @_table_body(%arg0: memref<512x1xf32, #tpu.memory_space<vmem>>, %arg1: memref<512x64xf32, #tpu.memory_space<vmem>>) attributes {dimension_semantics = [], scalar_prefetch = 0 : i64, scratch_operands = 0 : i64, tpu.core_type = #tpu.core_type<tc>} {
    %get3A = arith.constant 0 : index
    %get3A_0 = arith.constant 0 : index
    %get3A_1 = vector.load %arg0[%get3A, %get3A_0] : memref<512x1xf32, #tpu.memory_space<vmem>>, vector<512x1xf32>
    %iota3A = tpu.iota {dimensions = array<i32: 1>} : vector<512x64xi32>
    %lt3A = arith.constant 32 : i32
    %lt3A_2 = vector.broadcast %lt3A : i32 to vector<512x64xi32>
    %lt3A_3 = arith.cmpi slt, %iota3A, %lt3A_2 : vector<512x64xi32>
    %sub3A = arith.constant 32 : i32
    %sub3A_4 = vector.broadcast %sub3A : i32 to vector<512x64xi32>
    %sub3A_5 = arith.subi %iota3A, %sub3A_4 : vector<512x64xi32>
    %select_n3A = arith.select %lt3A_3, %iota3A, %sub3A_5 : vector<512x64xi1>, vector<512x64xi32>
    %convert_element_type3A = arith.sitofp %select_n3A : vector<512x64xi32> to vector<512x64xf32>
    %log3A = arith.constant 1.000000e+04 : f32
    %log3A_6 = math.log %log3A : f32
    %mul3A = arith.constant -2.000000e+00 : f32
    %mul3A_7 = arith.mulf %mul3A, %log3A_6 : f32
    %div3A = arith.constant 6.400000e+01 : f32
    %div3A_8 = arith.divf %mul3A_7, %div3A : f32
    %mul3A_9 = vector.broadcast %div3A_8 : f32 to vector<512x64xf32>
    %mul3A_10 = arith.mulf %convert_element_type3A, %mul3A_9 : vector<512x64xf32>
    %exp3A = math.exp %mul3A_10 : vector<512x64xf32>
    %mul3A_11 = vector.broadcast %get3A_1 : vector<512x1xf32> to vector<512x64xf32>
    %mul3A_12 = arith.mulf %mul3A_11, %exp3A : vector<512x64xf32>
    %sin3A = math.sin %mul3A_12 : vector<512x64xf32>
    %cos3A = math.cos %mul3A_12 : vector<512x64xf32>
    %select_n3A_13 = arith.select %lt3A_3, %sin3A, %cos3A : vector<512x64xi1>, vector<512x64xf32>
    %swap3A = arith.constant 0 : index
    %swap3A_14 = arith.constant 0 : index
    %swap3A_15 = vector.load %arg1[%swap3A, %swap3A_14] : memref<512x64xf32, #tpu.memory_space<vmem>>, vector<512x64xf32>
    tpu.vector_store %arg1[%swap3A, %swap3A_14], %select_n3A_13 {strides = array<i32>} : memref<512x64xf32, #tpu.memory_space<vmem>>, vector<512x64xf32>,
    return
  }
}

</mosaic_0001>

<sc_bundles>
// kernel: kernel.5.cloned.1.call-start
scs
__scs_entry_jumppad:
0x0: {  	(pc) =	sbr.rel $0x88, $3  }
0x1: {  	(tag) =	ssettag $0x0;
	lr =	simm.s32 $0x1  }
0x2: {  	[smem:$0x3F9E] =	sst lr;
	_ =	strace $0xD0000000  }
0x3: {  	_ = 	snop  }
0x4: {  	_ = 	snop  }
0x5: {  	_ = 	snop  }
0x6: {  	_ = 	snop  }
0x7: {  	_ = 	snop  }
__scs_overlays_trampoline_lowered:
0x8: {  	[smem:$0x3FAD] =	sst s0  }
0x9: {  	[smem:$0x3FAE] =	sst s1  }
0xa: {  	[smem:$0x3FAF] =	sst s2  }
0xb: {  	[smem:$0x3FB0] =	sst s3  }
0xc: {  	[smem:$0x3FB1] =	sst s4  }
0xd: {  	[smem:$0x3FB2] =	sst s5  }
0xe: {  	[smem:$0x3FB3] =	sst s6  }
0xf: {  	[smem:$0x3FB4] =	sst s7  }
0x10: {  	[smem:$0x3FB5] =	sst s8  }
0x11: {  	[smem:$0x3FB6] =	sst s9;
	s0 =	simm.s32 @!p0 $0x0  }
0x12: {  	s1 =	sld [smem:$0x3F9C];
	s0 =	simm.s32 @p0 $0x1  }
0x13: {  	[smem:$0x3FB7] =	sst s0;
	s0 =	simm.s32 @!p1 $0x0  }
0x14: {  	s2 =	sld [smem:$0x3F9B];
	s0 =	simm.s32 @p1 $0x1  }
0x15: {  	[smem:$0x3FB8] =	sst s0;
	s0 =	simm.s32 @!p2 $0x0  }
0x16: {  	s3 =	sld [smem:$0x3FDB];
	s0 =	simm.s32 @p2 $0x1  }
0x17: {  	s4 =	simm.s32 $0x1BF5;
	[smem:$0x3FBA] =	sst s0  }
0x18: {  	s0 =	sld [smem:$0x3F9D];
	_ =	swait.ge [sflag:s4], $0x0  }
0x19: {  	s7 =	sld [smem:$0x3F9E]  }
0x1a: {  	s8 =	sadd.s32 $0xFFFFE003, lr  }
0x1b: {  	s9 =	sadd.s32 $0xFFFFFEF7, lr;
	s5 =	simm.s32 $0xFFFFFFFF;
	p2 =	slt.u32 s8, $0xFFFFF086  }
0x1c: {  	p1 =	slt.u32 s9, $0xF7A;
	s5 =	simm.s32 @!p2 $0x0  }
0x1d: {  	s5 =	simm.s32 @p1 $0x1;
	p0 =	seq.s32 s7, s2  }
0x1e: {  	s7 =	smul.u32 @!p0 $0xF7A, s2;
	p2 =	seq.s32 @!p0 s5, $0x0  }
0x1f: {  	s9 =	smul.u32 $0xF7A, s1;
	s8 =	simm.s32 @!p0 $0x1BF5;
	p2 =	por !p2, p0  }
0x20: {  	[sflag:s8] =	ssyncset.s32 @!p0 $0xFFFFF086;
	s6 =	sadd.s32 @!p0 s3, s7;
	s7 =	simm.s32 @!p0 $0x108  }
0x21: {  	s3 =	sadd.s32 s3, s9;
	s6 =	sadd.s32 @!p0 $0x88, s6;
	s7 =	simm.s32 @p2 $0x1082  }
0x22: {  	[simem:s7], [sflag:s8] =	dma.local @!p0 [hbm:s6], $0xF7A  }
0x23: {  	s9 =	sor.u32 $0xD0000000, s2;
	s6 =	simm.s32 $0x108;
	_ =	swait.ge @!p0 [sflag:s8], $0x0  }
0x24: {  	s3 =	sadd.s32 $0x88, s3;
	s6 =	simm.s32 @!p1 $0x1082;
	[sflag:s4] =	ssyncset.s32 $0xFFFFF086  }
0x25: {  	[simem:s6], [sflag:s4] =	dma.local [hbm:s3], $0xF7A  }
0x26: {  	[smem:$0x3F9E] =	sst s1;
	(tag) =	ssettag s2;
	_ =	strace s9  }
0x27: {  	s1 =	sld [smem:$0x3FAE]  }
0x28: {  	s2 =	sld [smem:$0x3FAF]  }
0x29: {  	s4 =	sld [smem:$0x3FB1]  }
0x2a: {  	p0 =	seq.s32 s5, $0x0;
	s5 =	sld [smem:$0x3FB2]  }
0x2b: {  	s6 =	sld [smem:$0x3FB3]  }
0x2c: {  	s7 =	sld [smem:$0x3FB4]  }
0x2d: {  	s3 =	simm.s32 $0x108;
	s8 =	sld [smem:$0x3FB5]  }
0x2e: {  	s3 =	simm.s32 @!p0 $0x1082;
	s9 =	sld [smem:$0x3FB6]  }
0x2f: {  	lr =	sadd.s32 s0, s3;
	s0 =	sld [smem:$0x3FAD]  }
0x30: {  	s3 =	sld [smem:$0x3FB0]  }
0x31: {  	[smem:$0x3FB9] =	sst s10  }
0x32: {  	s10 =	sld [smem:$0x3FB7];
	_ =	sdelay $0x3  }
0x33: {  	p0 =	seq.s32 s10, $0x1;
	s10 =	sld [smem:$0x3FB9];
	_ =	sdelay $0x3  }
0x34: {  	[smem:$0x3FB9] =	sst s10  }
0x35: {  	s10 =	sld [smem:$0x3FB8];
	_ =	sdelay $0x3  }
0x36: {  	p1 =	seq.s32 s10, $0x1;
	s10 =	sld [smem:$0x3FB9];
	_ =	sdelay $0x3  }
0x37: {  	[smem:$0x3FB9] =	sst s10  }
0x38: {  	s10 =	sld [smem:$0x3FBA]  }
0x39: {  	_ = 	snop;
	(pc) =	sbr.ind lr, $3  }
0x3a: {  	_ = 	snop  }
0x3b: {  	_ = 	snop  }
0x3c: {  	p2 =	seq.s32 s10, $0x1;
	s10 =	sld [smem:$0x3FB9]  }
0x3d: {  	_ =	shalt  }
0x3e: {  	_ =	shalt  }
0x3f: {  	_ =	shalt  }
0x40: {  	_ =	shalt  }
0x41: {  	_ =	shalt  }
0x42: {  	_ =	shalt  }
0x43: {  	_ =	shalt  }
0x44: {  	_ =	shalt  }
0x45: {  	_ =	shalt  }
0x46: {  	_ =	shalt  }
0x47: {  	_ =	shalt  }
0x48: {  	_ =	shalt  }
0x49: {  	_ =	shalt  }
0x4a: {  	_ =	shalt  }
0x4b: {  	_ =	shalt  }
0x4c: {  	_ =	shalt  }
0x4d: {  	_ =	shalt  }
0x4e: {  	_ =	shalt  }
0x4f: {  	_ =	shalt  }
0x50: {  	_ =	shalt  }
0x51: {  	_ =	shalt  }
0x52: {  	_ =	shalt  }
0x53: {  	_ =	shalt  }
0x54: {  	_ =	shalt  }
0x55: {  	_ =	shalt  }
0x56: {  	_ =	shalt  }
0x57: {  	_ =	shalt  }
0x58: {  	_ =	shalt  }
0x59: {  	_ =	shalt  }
0x5a: {  	_ =	shalt  }
0x5b: {  	_ =	shalt  }
0x5c: {  	_ =	shalt  }
0x5d: {  	_ =	shalt  }
0x5e: {  	_ =	shalt  }
0x5f: {  	_ =	shalt  }
0x60: {  	_ =	shalt  }
0x61: {  	_ =	shalt  }
0x62: {  	_ =	shalt  }
0x63: {  	_ =	shalt  }
0x64: {  	_ =	shalt  }
0x65: {  	_ =	shalt  }
0x66: {  	_ =	shalt  }
0x67: {  	_ =	shalt  }
0x68: {  	_ =	shalt  }
0x69: {  	_ =	shalt  }
0x6a: {  	_ =	shalt  }
0x6b: {  	_ =	shalt  }
0x6c: {  	_ =	shalt  }
0x6d: {  	_ =	shalt  }
0x6e: {  	_ =	shalt  }
0x6f: {  	_ =	shalt  }
0x70: {  	_ =	shalt  }
0x71: {  	_ =	shalt  }
0x72: {  	_ =	shalt  }
0x73: {  	_ =	shalt  }
0x74: {  	_ =	shalt  }
0x75: {  	_ =	shalt  }
0x76: {  	_ =	shalt  }
0x77: {  	_ =	shalt  }
0x78: {  	_ =	shalt  }
0x79: {  	_ =	shalt  }
0x7a: {  	_ =	shalt  }
0x7b: {  	_ =	shalt  }
0x7c: {  	_ =	shalt  }
0x7d: {  	_ =	shalt  }
0x7e: {  	_ =	shalt  }
0x7f: {  	_ =	shalt  }
0x80: {  	_ =	shalt  }
0x81: {  	_ =	shalt  }
0x82: {  	_ =	shalt  }
0x83: {  	_ =	shalt  }
0x84: {  	_ =	shalt  }
0x85: {  	_ =	shalt  }
0x86: {  	_ =	shalt  }
0x87: {  	_ =	shalt  }
.Lfunc_end0:
.L_simem_size_0:
called_computation_lowered:
.L_overlay_start_0:
0x88: {  	s2 =	sld [smem:$0x3FD9]  }
0x89: {  	s3 =	sld [smem:$0x3FFE];
	_ =	sdelay $0x1  }
0x8a: {  	s1 =	srdreg.scid  }
0x8b: {  	s0 =	sand.u32 $0x1, s1  }
0x8c: {  	s17 =	sshll.u32 s0, $0xA;
	s2 =	sadd.s32 s3, s2  }
0x8d: {  	s2 =	sadd.s32 s2, s17  }
0x8e: {  	[smem:$0x3FC5] =	sst s2  }
0x8f: {  	_ = 	snop  }
0x90: {  	s2 =	sld [smem:$0x3FC8]  }
0x91: {  	s18 =	sld [smem:$0x3FD0];
	(tm) =	ssettm $0x1  }
0x92: {  	s4 =	sld [smem:$0x3FFB];
	_ =	sdelay $0x3  }
0x93: {  	_ =	strace s4  }
0x94: {  	s4 =	sld [smem:$0x3FFC];
	_ =	sdelay $0x3  }
0x95: {  	_ =	strace s4  }
0x96: {  	s4 =	sld [smem:$0x3FFD];
	_ =	sdelay $0x3  }
0x97: {  	_ =	strace s4  }
0x98: {  	_ =	strace $0x8FFFFFFF  }
0x99: {  	s19 =	sld [smem:$0x3FDB];
	_ =	sdelay $0x1  }
0x9a: {  	s5 =	simm.s32 $_scs_section_size  }
0x9b: {  	s6 =	simm.s32 $_size__tile_overlayer_lowered;
	s7 =	simm.s32 $_tile_overlayer_lowered  }
0x9c: {  	s22 =	simm.s32 $0x1BFF;
	s21 =	sshll.u32 s7, $0x1;
	s4 =	sadd.s32 s5, s19  }
0x9d: {  	s8 =	simm.s32 $0x0;
	s20 =	sshll.u32 s6, $0x1;
	s6 =	sadd.s32 s21, s4  }
0x9e: {  	[timem:s8], [sflag:s22] =	dma.local [hbm:s6], s20  }
0x9f: {  	_ =	swait.ge [sflag:s22], s20  }
0xa0: {  	s5 =	ssub.s32 $0x0, s20;
	[sflag:s22] =	ssyncset.done $0x0  }
0xa1: {  	[sflag:s22] =	ssyncadd.s32 s5;
	_ =	sdelay $0x1  }
0xa2: {  	s23 =	simm.s32 $0x1B8B  }
0xa3: {  	_ =	swait.ge [sflag:s23], $0x1  }
0xa4: {  	[sflag:s23] =	ssyncset.done $0x0  }
0xa5: {  	s25 =	simm.s32 $0x1B8E;
	s24 =	sld [smem:$0x3FFE];
	[sflag:s23] =	ssyncadd.s32 $0xFFFFFFFF  }
0xa6: {  	s26 =	simm.s32 $execute0_lowered;
	[smem:$0x3FD2] =	sst s25  }
0xa7: {  	s6 =	sshll.u32 s26, $0x1;
	_ =	strace $0x80000046;
	[dreg:$0x1] =	wrdreg $0xFFFFFFFF  }
0xa8: {  	s28 =	simm.s32 $_size_execute0_lowered;
	s4 =	sadd.s32 s4, s6;
	[dreg:$0x0] =	wrdreg $0x0  }
0xa9: {  	s6 =	sshll.u32 s28, $0x1;
	[dreg:$0x2] =	wrdreg s4  }
0xaa: {  	[dreg:$0x3] =	wrdreg s6  }
0xab: {  	[dreg:$0x4] =	wrdreg $0xC0  }
0xac: {  	_ =	task [dreg:s8], $0x5FFFF  }
0xad: {  	[dreg:$0x1] =	wrdreg $0xFFFFFFFF  }
0xae: {  	[dreg:$0x0] =	wrdreg $0x60  }
0xaf: {  	[dreg:$0x2] =	wrdreg s18  }
0xb0: {  	[dreg:$0x3] =	wrdreg s2  }
0xb1: {  	[dreg:$0x4] =	wrdreg s24  }
0xb2: {  	[dreg:$0x5] =	wrdreg $0x9  }
0xb3: {  	_ =	task.clear_ibuf [dreg:s8], $0x6FFFF;
	_ =	strace $0x90000046  }
0xb4: {  	s29 =	simm.s32 $0x9;
	_ =	strace $0x80000048  }
0xb5: {  	_ =	swait.ge [sflag:s29], $0x1  }
0xb6: {  	[sflag:s29] =	ssyncadd.s32 $0xFFFFFFFF  }
0xb7: {  	_ =	strace $0x90000048  }
0xb8: {  	_ =	sfence  }
0xb9: {  	s30 =	sld [smem:$0x0];
	_ =	sdelay $0x2  }
0xba: {  	s31 =	sshll.u32 s1, $0xD;
	s1 =	sshrl.u32 s1, $0x2  }
0xbb: {  	s3 =	sand.u32 $0x4000, s31;
	s1 =	sadd.s32 s1, s30  }
0xbc: {  	s0 =	sor.u32 s3, s0;
	s1 =	sshll.u32 s1, $0x11  }
0xbd: {  	s0 =	sor.u32 s1, s0  }
0xbe: {  	s0 =	sadd.s32 $0x8F2B, s0  }
0xbf: {  	[sflag:s0] =	ssyncadd.remote.s32 $0x1  }
0xc0: {  	_ =	sfence.sel $0xFFFF  }
0xc1: {  	[dreg:$0x0] =	wrdreg $0xFFFFFFFF;
	(pc) =	sbr.abs _section_cstart, $3  }
0xc2: {  	[dreg:$0x1] =	wrdreg $0xFFFFFFFF  }
0xc3: {  	_ =	task.clear_ibuf [dreg:s8], $0x2FFFF;
	_ =	strace $0x9FFFFFFF  }
0xc4: {  	(tm) =	ssettm $0x7FFFFFFF  }
0xc5: {  	_ =	shalt  }
tec
execute0_lowered:
.L_overlay_start_1:
0x0: {  	(tag) =	ssettag $0x1  }
0x1: {  	s1 =	rddreg [dreg:$0x0]  }
0x2: {  	s2 =	rddreg [dreg:$0x1]  }
0x3: {  	s7 =	rddreg [dreg:$0x2]  }
0x4: {  	s0 =	rddreg [dreg:$0x3];
	s3 =	simm.s32 $0x0  }
0x5: {  	s6 =	srdreg.scid;
	s4 =	stileid.u32;
	s15 =	simm.s32 $0xA00  }
0x6: {  	s16 =	simm.s32 $0x2;
	s17 =	simm.s32 $0x40;
	s18 =	simm.s32 $0x80  }
0x7: {  	s19 =	simm.s32 $0xAA00;
	s20 =	simm.s32 $0x3;
	s21 =	simm.s32 $0x4  }
0x8: {  	s22 =	simm.s32 $0x0;
	[smem:$0x7FF] =	sst s3;
	s5 =	sadd.s32 $0x400, s7  }
0x9: {  	s8 =	sand.u32 $0x1, s6;
	s6 =	sadd.s32 $0x1400, s7;
	s10 =	smul.u32 $0xA00, s4  }
0xa: {  	s12 =	sshll.u32 s4, $0x1;
	s31 =	smul.u32 $0x28000, s4;
	s7 =	sadd.s32 $0x1408, s7  }
0xb: {  	_ =	strace $0x80000047;
	s9 =	ssub.s32 $0x2, s8;
	s13 =	smul.u32 $0x500, s8  }
0xc: {  	s30 =	sor.u32 s12, s8;
	s14 =	smul.u32 $0x14000, s8;
	s11 =	sshrl.u32 s9, $0x1  }
0xd: {  	s12 =	simm.s32 $0x5;
	s9 =	ssub.s32 s9, s11;
	s11 =	ssub.s32 $0x290, s30  }
0xe: {  	s10 =	sadd.s32 s13, s10;
	s13 =	simm.s32 $0x500;
	s8 =	smax.u32 s9, $0x1  }
0xf: {  	s9 =	sshrl.u32 s11, $0x5;
	s11 =	sadd.s32 s14, s31;
	s14 =	simm.s32 $0x1  }
.LBB2_1:
0x10: {  	p1 =	sne.s32 s9, $0x1  }
.Ltmp0:
0x11: {  	_ = 	snop;
	(pc) =	sbr.rel @!p1 .LBB2_2-.Ltmp0, $2  }
0x12: {  	_ =	sdelay $0x2  }
0x13: {  	s23 =	sadd.s32 $0xFFFFFFFF, s9;
	s26 =	sshrl.u32 s10, $0x3;
	p0 =	por $0x0, $0x0  }
0x14: {  	s24 =	sadd.s32 s1, s26  }
0x15: {  	[tilespmem:s3], [sflag:$0x5] =	stream.linear.gather [hbm4b:s24+s3], $0x500, $0x38;
	[tilespmem:$0x14A00] =	vst v63  }
0x16: {  	_ =	swait.ge [sflag:s12], $0x500  }
0x17: {  	[sflag:s12] =	ssyncset.done $0x0  }
0x18: {  	[sflag:s12] =	ssyncadd.s32 $0xFFFFFB00  }
0x19: {  	[tilespmem:s13], [sflag:$0x1] =	stream.indirect.gather [hbm4b:s2+s13], $0x1, s3, s13, $0xb8;
	[tilespmem:$0x14A00] =	vst v63  }
0x1a: {  	_ =	swait.ge [sflag:s14], $0x500  }
0x1b: {  	[sflag:s14] =	ssyncset.done $0x0  }
0x1c: {  	[sflag:s14] =	ssyncadd.s32 $0xFFFFFB00  }
0x1d: {  	[tilespmem:s15], [sflag:$0x2] =	stream.indirect.gather [hbm4b:s5+s13], $0x40, s13, s13, $0xb8;
	[tilespmem:$0x14A00] =	vst v63  }
0x1e: {  	_ =	swait.ge [sflag:s16], $0x14000  }
0x1f: {  	s31 =	sshrl.u32 s11, $0x3;
	[sflag:s16] =	ssyncset.done $0x0  }
0x20: {  	s25 =	sadd.s32 s6, s31;
	[sflag:s16] =	ssyncadd.s32 $0xFFFEC000  }
0x21: {  	[hbm4b:s25+s17] =	stream.strided.scatter [tilespmem:s15], [sflag:$0x3], $0xA000, s18, s17, $0x38;
	[tilespmem:$0x14A00] =	vst v63  }
0x22: {  	p1 =	sne.s32 s23, $0x1;
	s24 =	sadd.s32 s31, s7  }
0x23: {  	[hbm4b:s24+s17] =	stream.strided.scatter [tilespmem:s19], [sflag:$0x4], $0xA000, s18, s17, $0x38;
	[tilespmem:$0x14A00] =	vst v63  }
.Ltmp1:
0x24: {  	_ =	swait.ge [sflag:s20], $0xA000;
	(pc) =	sbr.rel @!p1 .LBB2_4-.Ltmp1, $4  }
0x25: {  	[sflag:s20] =	ssyncset.done $0x0  }
0x26: {  	s25 =	sadd.s32 $0xA000, s10;
	[sflag:s20] =	ssyncadd.s32 $0xFFFF6000  }
0x27: {  	p0 =	por $0x1, $0x1;
	s26 =	sshrl.u32 s25, $0x3;
	_ =	swait.ge [sflag:s21], $0xA000  }
0x28: {  	s24 =	sadd.s32 $0xFFFFFFFF, s23;
	s23 =	smov.u32 s11;
	[sflag:s21] =	ssyncset.done $0x0  }
.LBB2_5:
0x29: {  	s26 =	sadd.s32 s1, s26;
	[sflag:s21] =	ssyncadd.s32 $0xFFFF6000;
	s23 =	sadd.s32 $0x280000, s23  }
0x2a: {  	[tilespmem:s3], [sflag:$0x5] =	stream.linear.gather [hbm4b:s26+s3], $0x500, $0x38;
	[tilespmem:$0x14A00] =	vst v63  }
0x2b: {  	p1 =	sne.s32 s24, $0x1;
	s24 =	sadd.s32 $0xFFFFFFFF, s24;
	_ =	swait.ge [sflag:s12], $0x500  }
0x2c: {  	[sflag:s12] =	ssyncset.done $0x0  }
0x2d: {  	[sflag:s12] =	ssyncadd.s32 $0xFFFFFB00  }
0x2e: {  	[tilespmem:s13], [sflag:$0x1] =	stream.indirect.gather [hbm4b:s2+s13], $0x1, s3, s13, $0xb8;
	[tilespmem:$0x14A00] =	vst v63  }
0x2f: {  	_ =	swait.ge [sflag:s14], $0x500  }
0x30: {  	[sflag:s14] =	ssyncset.done $0x0  }
0x31: {  	[sflag:s14] =	ssyncadd.s32 $0xFFFFFB00  }
0x32: {  	[tilespmem:s15], [sflag:$0x2] =	stream.indirect.gather [hbm4b:s5+s13], $0x40, s13, s13, $0xb8;
	[tilespmem:$0x14A00] =	vst v63  }
0x33: {  	_ =	swait.ge [sflag:s16], $0x14000  }
0x34: {  	s26 =	sshrl.u32 s23, $0x3;
	[sflag:s16] =	ssyncset.done $0x0  }
0x35: {  	s28 =	sadd.s32 s6, s26;
	[sflag:s16] =	ssyncadd.s32 $0xFFFEC000  }
0x36: {  	[hbm4b:s28+s17] =	stream.strided.scatter [tilespmem:s15], [sflag:$0x3], $0xA000, s18, s17, $0x38;
	[tilespmem:$0x14A00] =	vst v63  }
0x37: {  	s26 =	sadd.s32 s26, s7  }
0x38: {  	[hbm4b:s26+s17] =	stream.strided.scatter [tilespmem:s19], [sflag:$0x4], $0xA000, s18, s17, $0x38;
	[tilespmem:$0x14A00] =	vst v63  }
.Ltmp2:
0x39: {  	_ =	swait.ge [sflag:s20], $0xA000;
	(pc) =	sbr.rel @p1 .LBB2_5-.Ltmp2, $4  }
0x3a: {  	[sflag:s20] =	ssyncset.done $0x0  }
0x3b: {  	[sflag:s20] =	ssyncadd.s32 $0xFFFF6000  }
0x3c: {  	s25 =	sadd.s32 $0xA000, s25;
	_ =	swait.ge [sflag:s21], $0xA000  }
0x3d: {  	s26 =	sshrl.u32 s25, $0x3;
	[sflag:s21] =	ssyncset.done $0x0  }
.LBB2_6:
0x3e: {  	s24 =	sadd.s32 s1, s26;
	[sflag:s21] =	ssyncadd.s32 @p0 $0xFFFF6000  }
0x3f: {  	[tilespmem:s3], [sflag:$0x5] =	stream.linear.gather [hbm4b:s24+s3], $0x500, $0x38;
	[tilespmem:$0x14A00] =	vst v63  }
0x40: {  	_ =	swait.ge [sflag:s12], $0x500  }
0x41: {  	[sflag:s12] =	ssyncset.done $0x0  }
0x42: {  	[sflag:s12] =	ssyncadd.s32 $0xFFFFFB00  }
0x43: {  	[tilespmem:s13], [sflag:$0x1] =	stream.indirect.gather [hbm4b:s2+s13], $0x1, s3, s13, $0xb8;
	[tilespmem:$0x14A00] =	vst v63  }
0x44: {  	_ =	swait.ge [sflag:s14], $0x500  }
0x45: {  	[sflag:s14] =	ssyncset.done $0x0  }
0x46: {  	s23 =	sadd.s32 @p0 $0x280000, s23;
	s24 =	smov.u32 s11;
	[sflag:s14] =	ssyncadd.s32 $0xFFFFFB00  }
0x47: {  	[tilespmem:s15], [sflag:$0x2] =	stream.indirect.gather [hbm4b:s5+s13], $0x40, s13, s13, $0xb8;
	[tilespmem:$0x14A00] =	vst v63  }
0x48: {  	s24 =	smov.u32 @p0 s23;
	_ =	swait.ge [sflag:s16], $0x14000  }
0x49: {  	s23 =	sshrl.u32 s24, $0x3;
	[sflag:s16] =	ssyncset.done $0x0  }
0x4a: {  	s24 =	sadd.s32 s6, s23;
	[sflag:s16] =	ssyncadd.s32 $0xFFFEC000  }
0x4b: {  	[hbm4b:s24+s17] =	stream.strided.scatter [tilespmem:s15], [sflag:$0x3], $0xA000, s18, s17, $0x38;
	[tilespmem:$0x14A00] =	vst v63  }
0x4c: {  	s22 =	sadd.s32 $0x1, s22;
	s23 =	sadd.s32 s23, s7  }
0x4d: {  	[hbm4b:s23+s17] =	stream.strided.scatter [tilespmem:s19], [sflag:$0x4], $0xA000, s18, s17, $0x38;
	[tilespmem:$0x14A00] =	vst v63  }
0x4e: {  	p0 =	sne.s32 s22, s8;
	_ =	swait.ge [sflag:s20], $0xA000  }
.Ltmp3:
0x4f: {  	[sflag:s20] =	ssyncset.done $0x0;
	(pc) =	sbr.rel @p0 .LBB2_1-.Ltmp3, $4  }
.Ltmp4:
0x50: {  	[sflag:s20] =	ssyncadd.s32 $0xFFFF6000;
	(pc) =	sbr.rel @!p0 .LBB2_7-.Ltmp4, $4  }
0x51: {  	_ =	swait.ge [sflag:s21], $0xA000  }
0x52: {  	[sflag:s21] =	ssyncset.done $0x0  }
0x53: {  	[sflag:s21] =	ssyncadd.s32 $0xFFFF6000  }
0x54: {  	_ = 	snop  }
.LBB2_2:
.Ltmp5:
0x55: {  	(pc) =	sbr.rel .LBB2_6-.Ltmp5, $2  }
0x56: {  	_ =	sdelay $0x2  }
0x57: {  	s23 =	smov.u32 s11  }
.LBB2_4:
.Ltmp6:
0x58: {  	(pc) =	sbr.rel .LBB2_6-.Ltmp6, $2  }
0x59: {  	_ =	sdelay $0x2  }
0x5a: {  	s23 =	smov.u32 s11  }
.LBB2_7:
0x5b: {  	_ =	sfence.sel $0x180000  }
0x5c: {  	[bflag:$0x0] =	sbarrier.arrive $0xFFFF  }
0x5d: {  	p0 =	sne.s32 s4, $0x0;
	_ =	strace $0x90000047  }
0x5e: {  	s0 =	sadd.s32 @!p0 $0x100000, s0;
	[bflag:$0x2] =	sbarrier.arrive $0xFFFF  }
0x5f: {  	[sflag:s0] =	ssyncadd.tile.s32 @!p0 $0x1;
	_ =	shalt  }
.Lfunc_end2:
_tile_overlayer_lowered:
.L_overlay_start_2:
0x60: {  	(tag) =	ssettag $0x2  }
0x61: {  	s0 =	rddreg [dreg:$0x0];
	s2 =	stileid.u32  }
0x62: {  	s1 =	rddreg [dreg:$0x1];
	p0 =	sne.s32 s2, $0x0  }
0x63: {  	s3 =	rddreg [dreg:$0x2];
	[bflag:$0x3] =	sbarrier.arrive $0xFFFF;
	s2 =	simm.s32 @!p0 $0x1C05  }
0x64: {  	[timem:s3], [sflag:s2] =	dma.local @!p0 [hbm:s0], s1  }
0x65: {  	s0 =	simm.s32 @!p0 $0x5  }
0x66: {  	_ =	swait.ge @!p0 [sflag:s0], s1  }
0x67: {  	s1 =	ssub.s32 @!p0 $0x0, s1;
	[sflag:s0] =	ssyncset.done @!p0 $0x0  }
0x68: {  	[sflag:s0] =	ssyncadd.s32 @!p0 s1  }
0x69: {  	[bflag:$0x3] =	sbarrier.arrive $0xFFFF  }
0x6a: {  	_ =	shalt  }

</sc_bundles>
